<compile_context>
chip_gen: v7x
topology: tpu7x:2x2x1
jax: 0.10.2.dev20260603
libtpu: 0.0.44.dev20260713+nightly
codegen_flags: <defaults>
</compile_context>

<pallas_src>
import functools

import jax
import jax.numpy as jnp
from jax import lax
from jax.experimental import pallas as pl
from jax.experimental.pallas import tpu as pltpu
from jax.experimental.pallas import tpu_sc as plsc

_D = 128
_S = 4096
_T = 50
_NW = 32
_SPW = _S // _NW
_NSLOT = _T
_NBUF = 7
_LOOK = 5


def _emb_body(idx_hbm, table_hbm, out_hbm, idx_v, rows_v, *sems):
    gs = sems[:_NBUF]
    ss = sems[_NBUF:]
    wid = lax.axis_index("s") * 2 + lax.axis_index("c")
    sbase = wid * _SPW

    pltpu.sync_copy(idx_hbm.at[wid], idx_v)

    def gather(c, b):
        pltpu.async_copy(table_hbm.at[idx_v.at[c]], rows_v.at[b], gs[b])

    def gwait(c, b):
        pltpu.make_async_copy(table_hbm.at[idx_v.at[c]], rows_v.at[b], gs[b]).wait()

    def store(c, b):
        pltpu.async_copy(
            rows_v.at[b], out_hbm.at[c].at[pl.ds(sbase, _SPW)], ss[b]
        )

    def swait(c, b):
        pltpu.make_async_copy(
            rows_v.at[b], out_hbm.at[c].at[pl.ds(sbase, _SPW)], ss[b]
        ).wait()

    def slot(c, b, do_swait, do_gather):
        gwait(c, b)
        store(c, b)
        if do_swait:
            swait(c - (_NBUF - _LOOK), (b + _LOOK) % _NBUF)
        if do_gather:
            gather(c + _LOOK, (b + _LOOK) % _NBUF)

    for c in range(_LOOK):
        gather(c, c)
    for c in range(_NBUF - _LOOK):
        slot(c, c, False, True)

    first = _NBUF - _LOOK
    last = _NSLOT - _LOOK
    nloop = (last - first) // _NBUF

    def body(t, carry):
        c0 = first + t * _NBUF
        for i in range(_NBUF):
            slot(c0 + i, (first + i) % _NBUF, True, True)
        return carry

    lax.fori_loop(0, nloop, body, 0)

    for c in range(first + nloop * _NBUF, last):
        slot(c, c % _NBUF, True, True)

    for c in range(last, _NSLOT):
        slot(c, c % _NBUF, True, False)
    for c in range(_NSLOT - (_NBUF - _LOOK), _NSLOT):
        swait(c, c % _NBUF)


_emb = functools.partial(
    pl.kernel,
    mesh=plsc.VectorSubcoreMesh(core_axis_name="c", subcore_axis_name="s"),
    out_type=jax.ShapeDtypeStruct((_T, _S, _D), jnp.float32),
    scratch_types=[
        pltpu.VMEM((_T, _SPW), jnp.int32),
        pltpu.VMEM((_NBUF, _SPW, _D), jnp.float32),
    ] + [pltpu.SemaphoreType.DMA] * (2 * _NBUF),
)(_emb_body)


@jax.jit
def kernel(token_ids, weight):
    idx_w = (
        token_ids.astype(jnp.int32)
        .reshape(_NW, _SPW, _T)
        .transpose(0, 2, 1)
    )
    out = _emb(idx_w, weight)
    return out.transpose(1, 0, 2)

# --- scband reference (transcript-rebuilt; emitter-appended) ---
"""Pipeline reference for scband-embedding-47287589929719 (READ-ONLY COPY).

The authoritative reference and input builder live on the scoring server;
editing this copy changes nothing except your own understanding.
"""

import jax, jax.numpy as jnp
import numpy as np

NUM_EMBEDDINGS = 100000
EMBEDDING_DIM = 128

def setup_inputs(seed: int = 0) -> dict:
    key = jax.random.key(seed)
    k1, k2 = jax.random.split(key)
    token_ids = jax.random.randint(k1, (4096, 50), 0, NUM_EMBEDDINGS, dtype=jnp.int64 if jax.config.jax_enable_x64 else jnp.int32)
    # trunc_normal_(mean=0, std=1, a=-3, b=3)
    weight = jax.random.truncated_normal(k2, -3.0, 3.0, (NUM_EMBEDDINGS, EMBEDDING_DIM), dtype=jnp.float32)
    return {"token_ids": token_ids, "weight": weight}

def reference(token_ids, weight):
    # Embedding lookup: weight[token_ids] -> [..., seq_len, d_model]
    return jnp.take(weight, token_ids, axis=0)

if __name__ == "__main__":
    import jax
    _d = setup_inputs()
    print(jax.jit(kernel)(*tuple(_d.values())))

</pallas_src>

<mosaic_0001>
#map = affine_map<(d0, d1) -> (0, 0, 0)>
#map1 = affine_map<(d0, d1) -> (0, 0)>
module attributes {stable_mosaic.version = 14 : i64} {
  func.func @_emb_body(%arg0: i32, %arg1: i32, %arg2: memref<32x50x128xi32, #tpu.memory_space<hbm>>, %arg3: memref<100000x128xf32, #tpu.memory_space<hbm>>, %arg4: memref<50x4096x128xf32, #tpu.memory_space<hbm>>, %arg5: memref<50x128xi32, #tpu.memory_space<vmem>>, %arg6: memref<7x128x128xf32, #tpu.memory_space<vmem>>, %arg7: memref<!tpu.dma_semaphore, #tpu.memory_space<semaphore_mem>>, %arg8: memref<!tpu.dma_semaphore, #tpu.memory_space<semaphore_mem>>, %arg9: memref<!tpu.dma_semaphore, #tpu.memory_space<semaphore_mem>>, %arg10: memref<!tpu.dma_semaphore, #tpu.memory_space<semaphore_mem>>, %arg11: memref<!tpu.dma_semaphore, #tpu.memory_space<semaphore_mem>>, %arg12: memref<!tpu.dma_semaphore, #tpu.memory_space<semaphore_mem>>, %arg13: memref<!tpu.dma_semaphore, #tpu.memory_space<semaphore_mem>>, %arg14: memref<!tpu.dma_semaphore, #tpu.memory_space<semaphore_mem>>, %arg15: memref<!tpu.dma_semaphore, #tpu.memory_space<semaphore_mem>>, %arg16: memref<!tpu.dma_semaphore, #tpu.memory_space<semaphore_mem>>, %arg17: memref<!tpu.dma_semaphore, #tpu.memory_space<semaphore_mem>>, %arg18: memref<!tpu.dma_semaphore, #tpu.memory_space<semaphore_mem>>, %arg19: memref<!tpu.dma_semaphore, #tpu.memory_space<semaphore_mem>>, %arg20: memref<!tpu.dma_semaphore, #tpu.memory_space<semaphore_mem>>) attributes {dimension_semantics = [#tpu.dimension_semantics<core_parallel>, #tpu.dimension_semantics<subcore_parallel>], iteration_bounds = array<i64: 2, 16>, scalar_prefetch = 0 : i64, scratch_operands = 16 : i64, tpu.core_type = #tpu.core_type<sc_vector_subcore>, window_params = [{transform_indices = #map}, {transform_indices = #map1}, {transform_indices = #map}]} {
    %mul3A = arith.constant 2 : i32
    %mul3A_0 = arith.muli %arg1, %mul3A : i32
    %add3A = arith.addi %mul3A_0, %arg0 : i32
    %mul3A_1 = arith.constant 128 : i32
    %mul3A_2 = arith.muli %add3A, %mul3A_1 : i32
    "tpu.region"() ({
      %run_scoped3A = tpu.sem_alloc : memref<!tpu.dma_semaphore, #tpu.memory_space<semaphore_mem>>
      %dma_start3A_550 = arith.constant 0 : i32
      %dma_start3A_551 = arith.constant 0 : i32
      %dma_start3A_552 = tpu.memref_slice %arg2[%add3A, %dma_start3A_550, %dma_start3A_551] : memref<32x50x128xi32, #tpu.memory_space<hbm>> -> memref<1x50x128xi32, #tpu.memory_space<hbm>>
      %dma_start3A_553 = tpu.memref_squeeze %dma_start3A_552 : memref<1x50x128xi32, #tpu.memory_space<hbm>> -> memref<50x128xi32, #tpu.memory_space<hbm>>
      %dma_start3A_554 = arith.constant 0 : i32
      %dma_start3A_555 = arith.constant 0 : i32
      %dma_start3A_556 = tpu.memref_slice %arg2[%add3A, %dma_start3A_554, %dma_start3A_555] : memref<32x50x128xi32, #tpu.memory_space<hbm>> -> memref<1x50x128xi32, #tpu.memory_space<hbm>>
      %dma_start3A_557 = tpu.memref_squeeze %dma_start3A_556 : memref<1x50x128xi32, #tpu.memory_space<hbm>> -> memref<50x128xi32, #tpu.memory_space<hbm>>
      tpu.enqueue_dma source(%dma_start3A_557 : memref<50x128xi32, #tpu.memory_space<hbm>>) target(%arg5 : memref<50x128xi32, #tpu.memory_space<vmem>>) target_semaphore(%run_scoped3A : memref<!tpu.dma_semaphore, #tpu.memory_space<semaphore_mem>>)
      %dma_wait3A_558 = arith.constant 0 : i32
      %dma_wait3A_559 = arith.constant 0 : i32
      %dma_wait3A_560 = tpu.memref_slice %arg2[%add3A, %dma_wait3A_558, %dma_wait3A_559] : memref<32x50x128xi32, #tpu.memory_space<hbm>> -> memref<1x50x128xi32, #tpu.memory_space<hbm>>
      %dma_wait3A_561 = tpu.memref_squeeze %dma_wait3A_560 : memref<1x50x128xi32, #tpu.memory_space<hbm>> -> memref<50x128xi32, #tpu.memory_space<hbm>>
      %dma_wait3A_562 = arith.constant 0 : i32
      %dma_wait3A_563 = arith.constant 0 : i32
      %dma_wait3A_564 = tpu.memref_slice %arg2[%add3A, %dma_wait3A_562, %dma_wait3A_563] : memref<32x50x128xi32, #tpu.memory_space<hbm>> -> memref<1x50x128xi32, #tpu.memory_space<hbm>>
      %dma_wait3A_565 = tpu.memref_squeeze %dma_wait3A_564 : memref<1x50x128xi32, #tpu.memory_space<hbm>> -> memref<50x128xi32, #tpu.memory_space<hbm>>
      tpu.wait_dma2 semaphore(%run_scoped3A : memref<!tpu.dma_semaphore, #tpu.memory_space<semaphore_mem>>) src(%dma_wait3A_565 : memref<50x128xi32, #tpu.memory_space<hbm>>) dst(%arg5 : memref<50x128xi32, #tpu.memory_space<vmem>>)
      tpu.yield
    }) : () -> ()
    %dma_start3A = arith.constant 0 : i32
    %dma_start3A_3 = arith.constant 0 : i32
    %dma_start3A_4 = arith.constant 0 : i32
    %dma_start3A_5 = arith.constant 0 : i32
    %dma_start3A_6 = tpu.memref_slice %arg6[%dma_start3A_3, %dma_start3A_4, %dma_start3A_5] : memref<7x128x128xf32, #tpu.memory_space<vmem>> -> memref<1x128x128xf32, #tpu.memory_space<vmem>>
    %dma_start3A_7 = tpu.memref_squeeze %dma_start3A_6 : memref<1x128x128xf32, #tpu.memory_space<vmem>> -> memref<128x128xf32, #tpu.memory_space<vmem>>
    %dma_start3A_8 = arith.constant 0 : i32
    %dma_start3A_9 = tpu.memref_slice %arg5[%dma_start3A, %dma_start3A_8] : memref<50x128xi32, #tpu.memory_space<vmem>> -> memref<1x128xi32, #tpu.memory_space<vmem>>
    %dma_start3A_10 = tpu.memref_squeeze %dma_start3A_9 : memref<1x128xi32, #tpu.memory_space<vmem>> -> memref<128xi32, #tpu.memory_space<vmem>>
    %dma_start3A_11 = arith.constant 0 : i32
    %dma_start3A_12 = arith.constant 0 : i32
    %dma_start3A_13 = tpu.memref_slice %arg3[%dma_start3A_11, %dma_start3A_12] : memref<100000x128xf32, #tpu.memory_space<hbm>> -> memref<100000x128xf32, #tpu.memory_space<hbm>>
    tpu.enqueue_indirect_dma source(%dma_start3A_13 : memref<100000x128xf32, #tpu.memory_space<hbm>>) target(%dma_start3A_7 : memref<128x128xf32, #tpu.memory_space<vmem>>) offsets(%dma_start3A_10 : memref<128xi32, #tpu.memory_space<vmem>>) semaphore(%arg7 : memref<!tpu.dma_semaphore, #tpu.memory_space<semaphore_mem>>)
    %dma_start3A_14 = arith.constant 1 : i32
    %dma_start3A_15 = arith.constant 1 : i32
    %dma_start3A_16 = arith.constant 0 : i32
    %dma_start3A_17 = arith.constant 0 : i32
    %dma_start3A_18 = tpu.memref_slice %arg6[%dma_start3A_15, %dma_start3A_16, %dma_start3A_17] : memref<7x128x128xf32, #tpu.memory_space<vmem>> -> memref<1x128x128xf32, #tpu.memory_space<vmem>>
    %dma_start3A_19 = tpu.memref_squeeze %dma_start3A_18 : memref<1x128x128xf32, #tpu.memory_space<vmem>> -> memref<128x128xf32, #tpu.memory_space<vmem>>
    %dma_start3A_20 = arith.constant 0 : i32
    %dma_start3A_21 = tpu.memref_slice %arg5[%dma_start3A_14, %dma_start3A_20] : memref<50x128xi32, #tpu.memory_space<vmem>> -> memref<1x128xi32, #tpu.memory_space<vmem>>
    %dma_start3A_22 = tpu.memref_squeeze %dma_start3A_21 : memref<1x128xi32, #tpu.memory_space<vmem>> -> memref<128xi32, #tpu.memory_space<vmem>>
    %dma_start3A_23 = arith.constant 0 : i32
    %dma_start3A_24 = arith.constant 0 : i32
    %dma_start3A_25 = tpu.memref_slice %arg3[%dma_start3A_23, %dma_start3A_24] : memref<100000x128xf32, #tpu.memory_space<hbm>> -> memref<100000x128xf32, #tpu.memory_space<hbm>>
    tpu.enqueue_indirect_dma source(%dma_start3A_25 : memref<100000x128xf32, #tpu.memory_space<hbm>>) target(%dma_start3A_19 : memref<128x128xf32, #tpu.memory_space<vmem>>) offsets(%dma_start3A_22 : memref<128xi32, #tpu.memory_space<vmem>>) semaphore(%arg8 : memref<!tpu.dma_semaphore, #tpu.memory_space<semaphore_mem>>)
    %dma_start3A_26 = arith.constant 2 : i32
    %dma_start3A_27 = arith.constant 2 : i32
    %dma_start3A_28 = arith.constant 0 : i32
    %dma_start3A_29 = arith.constant 0 : i32
    %dma_start3A_30 = tpu.memref_slice %arg6[%dma_start3A_27, %dma_start3A_28, %dma_start3A_29] : memref<7x128x128xf32, #tpu.memory_space<vmem>> -> memref<1x128x128xf32, #tpu.memory_space<vmem>>
    %dma_start3A_31 = tpu.memref_squeeze %dma_start3A_30 : memref<1x128x128xf32, #tpu.memory_space<vmem>> -> memref<128x128xf32, #tpu.memory_space<vmem>>
    %dma_start3A_32 = arith.constant 0 : i32
    %dma_start3A_33 = tpu.memref_slice %arg5[%dma_start3A_26, %dma_start3A_32] : memref<50x128xi32, #tpu.memory_space<vmem>> -> memref<1x128xi32, #tpu.memory_space<vmem>>
    %dma_start3A_34 = tpu.memref_squeeze %dma_start3A_33 : memref<1x128xi32, #tpu.memory_space<vmem>> -> memref<128xi32, #tpu.memory_space<vmem>>
    %dma_start3A_35 = arith.constant 0 : i32
    %dma_start3A_36 = arith.constant 0 : i32
    %dma_start3A_37 = tpu.memref_slice %arg3[%dma_start3A_35, %dma_start3A_36] : memref<100000x128xf32, #tpu.memory_space<hbm>> -> memref<100000x128xf32, #tpu.memory_space<hbm>>
    tpu.enqueue_indirect_dma source(%dma_start3A_37 : memref<100000x128xf32, #tpu.memory_space<hbm>>) target(%dma_start3A_31 : memref<128x128xf32, #tpu.memory_space<vmem>>) offsets(%dma_start3A_34 : memref<128xi32, #tpu.memory_space<vmem>>) semaphore(%arg9 : memref<!tpu.dma_semaphore, #tpu.memory_space<semaphore_mem>>)
    %dma_start3A_38 = arith.constant 3 : i32
    %dma_start3A_39 = arith.constant 3 : i32
    %dma_start3A_40 = arith.constant 0 : i32
    %dma_start3A_41 = arith.constant 0 : i32
    %dma_start3A_42 = tpu.memref_slice %arg6[%dma_start3A_39, %dma_start3A_40, %dma_start3A_41] : memref<7x128x128xf32, #tpu.memory_space<vmem>> -> memref<1x128x128xf32, #tpu.memory_space<vmem>>
    %dma_start3A_43 = tpu.memref_squeeze %dma_start3A_42 : memref<1x128x128xf32, #tpu.memory_space<vmem>> -> memref<128x128xf32, #tpu.memory_space<vmem>>
    %dma_start3A_44 = arith.constant 0 : i32
    %dma_start3A_45 = tpu.memref_slice %arg5[%dma_start3A_38, %dma_start3A_44] : memref<50x128xi32, #tpu.memory_space<vmem>> -> memref<1x128xi32, #tpu.memory_space<vmem>>
    %dma_start3A_46 = tpu.memref_squeeze %dma_start3A_45 : memref<1x128xi32, #tpu.memory_space<vmem>> -> memref<128xi32, #tpu.memory_space<vmem>>
    %dma_start3A_47 = arith.constant 0 : i32
    %dma_start3A_48 = arith.constant 0 : i32
    %dma_start3A_49 = tpu.memref_slice %arg3[%dma_start3A_47, %dma_start3A_48] : memref<100000x128xf32, #tpu.memory_space<hbm>> -> memref<100000x128xf32, #tpu.memory_space<hbm>>
    tpu.enqueue_indirect_dma source(%dma_start3A_49 : memref<100000x128xf32, #tpu.memory_space<hbm>>) target(%dma_start3A_43 : memref<128x128xf32, #tpu.memory_space<vmem>>) offsets(%dma_start3A_46 : memref<128xi32, #tpu.memory_space<vmem>>) semaphore(%arg10 : memref<!tpu.dma_semaphore, #tpu.memory_space<semaphore_mem>>)
    %dma_start3A_50 = arith.constant 4 : i32
    %dma_start3A_51 = arith.constant 4 : i32
    %dma_start3A_52 = arith.constant 0 : i32
    %dma_start3A_53 = arith.constant 0 : i32
    %dma_start3A_54 = tpu.memref_slice %arg6[%dma_start3A_51, %dma_start3A_52, %dma_start3A_53] : memref<7x128x128xf32, #tpu.memory_space<vmem>> -> memref<1x128x128xf32, #tpu.memory_space<vmem>>
    %dma_start3A_55 = tpu.memref_squeeze %dma_start3A_54 : memref<1x128x128xf32, #tpu.memory_space<vmem>> -> memref<128x128xf32, #tpu.memory_space<vmem>>
    %dma_start3A_56 = arith.constant 0 : i32
    %dma_start3A_57 = tpu.memref_slice %arg5[%dma_start3A_50, %dma_start3A_56] : memref<50x128xi32, #tpu.memory_space<vmem>> -> memref<1x128xi32, #tpu.memory_space<vmem>>
    %dma_start3A_58 = tpu.memref_squeeze %dma_start3A_57 : memref<1x128xi32, #tpu.memory_space<vmem>> -> memref<128xi32, #tpu.memory_space<vmem>>
    %dma_start3A_59 = arith.constant 0 : i32
    %dma_start3A_60 = arith.constant 0 : i32
    %dma_start3A_61 = tpu.memref_slice %arg3[%dma_start3A_59, %dma_start3A_60] : memref<100000x128xf32, #tpu.memory_space<hbm>> -> memref<100000x128xf32, #tpu.memory_space<hbm>>
    tpu.enqueue_indirect_dma source(%dma_start3A_61 : memref<100000x128xf32, #tpu.memory_space<hbm>>) target(%dma_start3A_55 : memref<128x128xf32, #tpu.memory_space<vmem>>) offsets(%dma_start3A_58 : memref<128xi32, #tpu.memory_space<vmem>>) semaphore(%arg11 : memref<!tpu.dma_semaphore, #tpu.memory_space<semaphore_mem>>)
    %dma_wait3A = arith.constant 0 : i32
    %dma_wait3A_62 = arith.constant 0 : i32
    %dma_wait3A_63 = arith.constant 0 : i32
    %dma_wait3A_64 = arith.constant 0 : i32
    %dma_wait3A_65 = tpu.memref_slice %arg6[%dma_wait3A_62, %dma_wait3A_63, %dma_wait3A_64] : memref<7x128x128xf32, #tpu.memory_space<vmem>> -> memref<1x128x128xf32, #tpu.memory_space<vmem>>
    %dma_wait3A_66 = tpu.memref_squeeze %dma_wait3A_65 : memref<1x128x128xf32, #tpu.memory_space<vmem>> -> memref<128x128xf32, #tpu.memory_space<vmem>>
    %dma_wait3A_67 = arith.constant 0 : i32
    %dma_wait3A_68 = tpu.memref_slice %arg5[%dma_wait3A, %dma_wait3A_67] : memref<50x128xi32, #tpu.memory_space<vmem>> -> memref<1x128xi32, #tpu.memory_space<vmem>>
    %dma_wait3A_69 = tpu.memref_squeeze %dma_wait3A_68 : memref<1x128xi32, #tpu.memory_space<vmem>> -> memref<128xi32, #tpu.memory_space<vmem>>
    %dma_wait3A_70 = arith.constant 0 : i32
    %dma_wait3A_71 = arith.constant 0 : i32
    %dma_wait3A_72 = tpu.memref_slice %arg3[%dma_wait3A_70, %dma_wait3A_71] : memref<100000x128xf32, #tpu.memory_space<hbm>> -> memref<100000x128xf32, #tpu.memory_space<hbm>>
    tpu.wait_indirect_dma semaphore(%arg7 : memref<!tpu.dma_semaphore, #tpu.memory_space<semaphore_mem>>) src(%dma_wait3A_72 : memref<100000x128xf32, #tpu.memory_space<hbm>>) dst(%dma_wait3A_66 : memref<128x128xf32, #tpu.memory_space<vmem>>)
    %dma_start3A_73 = arith.constant 0 : i32
    %dma_start3A_74 = arith.constant 0 : i32
    %dma_start3A_75 = arith.constant 0 : i32
    %dma_start3A_76 = arith.constant 0 : i32
    %dma_start3A_77 = tpu.memref_slice %arg6[%dma_start3A_73, %dma_start3A_75, %dma_start3A_76] : memref<7x128x128xf32, #tpu.memory_space<vmem>> -> memref<1x128x128xf32, #tpu.memory_space<vmem>>
    %dma_start3A_78 = tpu.memref_squeeze %dma_start3A_77 : memref<1x128x128xf32, #tpu.memory_space<vmem>> -> memref<128x128xf32, #tpu.memory_space<vmem>>
    %dma_start3A_79 = arith.constant 0 : i32
    %dma_start3A_80 = arith.constant 0 : i32
    %dma_start3A_81 = tpu.memref_slice %arg4[%dma_start3A_74, %dma_start3A_79, %dma_start3A_80] : memref<50x4096x128xf32, #tpu.memory_space<hbm>> -> memref<1x4096x128xf32, #tpu.memory_space<hbm>>
    %dma_start3A_82 = tpu.memref_squeeze %dma_start3A_81 : memref<1x4096x128xf32, #tpu.memory_space<hbm>> -> memref<4096x128xf32, #tpu.memory_space<hbm>>
    %dma_start3A_83 = arith.constant 0 : i32
    %dma_start3A_84 = tpu.memref_slice %dma_start3A_82[%mul3A_2, %dma_start3A_83] : memref<4096x128xf32, #tpu.memory_space<hbm>> -> memref<128x128xf32, #tpu.memory_space<hbm>>
    %dma_start3A_85 = arith.constant 0 : i32
    %dma_start3A_86 = arith.constant 0 : i32
    %dma_start3A_87 = tpu.memref_slice %arg4[%dma_start3A_74, %dma_start3A_85, %dma_start3A_86] : memref<50x4096x128xf32, #tpu.memory_space<hbm>> -> memref<1x4096x128xf32, #tpu.memory_space<hbm>>
    %dma_start3A_88 = tpu.memref_squeeze %dma_start3A_87 : memref<1x4096x128xf32, #tpu.memory_space<hbm>> -> memref<4096x128xf32, #tpu.memory_space<hbm>>
    %dma_start3A_89 = arith.constant 0 : i32
    %dma_start3A_90 = tpu.memref_slice %dma_start3A_88[%mul3A_2, %dma_start3A_89] : memref<4096x128xf32, #tpu.memory_space<hbm>> -> memref<128x128xf32, #tpu.memory_space<hbm>>
    %dma_start3A_91 = arith.constant 0 : i32
    %dma_start3A_92 = arith.constant 0 : i32
    %dma_start3A_93 = tpu.memref_slice %arg6[%dma_start3A_73, %dma_start3A_91, %dma_start3A_92] : memref<7x128x128xf32, #tpu.memory_space<vmem>> -> memref<1x128x128xf32, #tpu.memory_space<vmem>>
    %dma_start3A_94 = tpu.memref_squeeze %dma_start3A_93 : memref<1x128x128xf32, #tpu.memory_space<vmem>> -> memref<128x128xf32, #tpu.memory_space<vmem>>
    tpu.enqueue_dma source(%dma_start3A_94 : memref<128x128xf32, #tpu.memory_space<vmem>>) target(%dma_start3A_90 : memref<128x128xf32, #tpu.memory_space<hbm>>) target_semaphore(%arg14 : memref<!tpu.dma_semaphore, #tpu.memory_space<semaphore_mem>>)
    %dma_start3A_95 = arith.constant 5 : i32
    %dma_start3A_96 = arith.constant 5 : i32
    %dma_start3A_97 = arith.constant 0 : i32
    %dma_start3A_98 = arith.constant 0 : i32
    %dma_start3A_99 = tpu.memref_slice %arg6[%dma_start3A_96, %dma_start3A_97, %dma_start3A_98] : memref<7x128x128xf32, #tpu.memory_space<vmem>> -> memref<1x128x128xf32, #tpu.memory_space<vmem>>
    %dma_start3A_100 = tpu.memref_squeeze %dma_start3A_99 : memref<1x128x128xf32, #tpu.memory_space<vmem>> -> memref<128x128xf32, #tpu.memory_space<vmem>>
    %dma_start3A_101 = arith.constant 0 : i32
    %dma_start3A_102 = tpu.memref_slice %arg5[%dma_start3A_95, %dma_start3A_101] : memref<50x128xi32, #tpu.memory_space<vmem>> -> memref<1x128xi32, #tpu.memory_space<vmem>>
    %dma_start3A_103 = tpu.memref_squeeze %dma_start3A_102 : memref<1x128xi32, #tpu.memory_space<vmem>> -> memref<128xi32, #tpu.memory_space<vmem>>
    %dma_start3A_104 = arith.constant 0 : i32
    %dma_start3A_105 = arith.constant 0 : i32
    %dma_start3A_106 = tpu.memref_slice %arg3[%dma_start3A_104, %dma_start3A_105] : memref<100000x128xf32, #tpu.memory_space<hbm>> -> memref<100000x128xf32, #tpu.memory_space<hbm>>
    tpu.enqueue_indirect_dma source(%dma_start3A_106 : memref<100000x128xf32, #tpu.memory_space<hbm>>) target(%dma_start3A_100 : memref<128x128xf32, #tpu.memory_space<vmem>>) offsets(%dma_start3A_103 : memref<128xi32, #tpu.memory_space<vmem>>) semaphore(%arg12 : memref<!tpu.dma_semaphore, #tpu.memory_space<semaphore_mem>>)
    %dma_wait3A_107 = arith.constant 1 : i32
    %dma_wait3A_108 = arith.constant 1 : i32
    %dma_wait3A_109 = arith.constant 0 : i32
    %dma_wait3A_110 = arith.constant 0 : i32
    %dma_wait3A_111 = tpu.memref_slice %arg6[%dma_wait3A_108, %dma_wait3A_109, %dma_wait3A_110] : memref<7x128x128xf32, #tpu.memory_space<vmem>> -> memref<1x128x128xf32, #tpu.memory_space<vmem>>
    %dma_wait3A_112 = tpu.memref_squeeze %dma_wait3A_111 : memref<1x128x128xf32, #tpu.memory_space<vmem>> -> memref<128x128xf32, #tpu.memory_space<vmem>>
    %dma_wait3A_113 = arith.constant 0 : i32
    %dma_wait3A_114 = tpu.memref_slice %arg5[%dma_wait3A_107, %dma_wait3A_113] : memref<50x128xi32, #tpu.memory_space<vmem>> -> memref<1x128xi32, #tpu.memory_space<vmem>>
    %dma_wait3A_115 = tpu.memref_squeeze %dma_wait3A_114 : memref<1x128xi32, #tpu.memory_space<vmem>> -> memref<128xi32, #tpu.memory_space<vmem>>
    %dma_wait3A_116 = arith.constant 0 : i32
    %dma_wait3A_117 = arith.constant 0 : i32
    %dma_wait3A_118 = tpu.memref_slice %arg3[%dma_wait3A_116, %dma_wait3A_117] : memref<100000x128xf32, #tpu.memory_space<hbm>> -> memref<100000x128xf32, #tpu.memory_space<hbm>>
    tpu.wait_indirect_dma semaphore(%arg8 : memref<!tpu.dma_semaphore, #tpu.memory_space<semaphore_mem>>) src(%dma_wait3A_118 : memref<100000x128xf32, #tpu.memory_space<hbm>>) dst(%dma_wait3A_112 : memref<128x128xf32, #tpu.memory_space<vmem>>)
    %dma_start3A_119 = arith.constant 1 : i32
    %dma_start3A_120 = arith.constant 1 : i32
    %dma_start3A_121 = arith.constant 0 : i32
    %dma_start3A_122 = arith.constant 0 : i32
    %dma_start3A_123 = tpu.memref_slice %arg6[%dma_start3A_119, %dma_start3A_121, %dma_start3A_122] : memref<7x128x128xf32, #tpu.memory_space<vmem>> -> memref<1x128x128xf32, #tpu.memory_space<vmem>>
    %dma_start3A_124 = tpu.memref_squeeze %dma_start3A_123 : memref<1x128x128xf32, #tpu.memory_space<vmem>> -> memref<128x128xf32, #tpu.memory_space<vmem>>
    %dma_start3A_125 = arith.constant 0 : i32
    %dma_start3A_126 = arith.constant 0 : i32
    %dma_start3A_127 = tpu.memref_slice %arg4[%dma_start3A_120, %dma_start3A_125, %dma_start3A_126] : memref<50x4096x128xf32, #tpu.memory_space<hbm>> -> memref<1x4096x128xf32, #tpu.memory_space<hbm>>
    %dma_start3A_128 = tpu.memref_squeeze %dma_start3A_127 : memref<1x4096x128xf32, #tpu.memory_space<hbm>> -> memref<4096x128xf32, #tpu.memory_space<hbm>>
    %dma_start3A_129 = arith.constant 0 : i32
    %dma_start3A_130 = tpu.memref_slice %dma_start3A_128[%mul3A_2, %dma_start3A_129] : memref<4096x128xf32, #tpu.memory_space<hbm>> -> memref<128x128xf32, #tpu.memory_space<hbm>>
    %dma_start3A_131 = arith.constant 0 : i32
    %dma_start3A_132 = arith.constant 0 : i32
    %dma_start3A_133 = tpu.memref_slice %arg4[%dma_start3A_120, %dma_start3A_131, %dma_start3A_132] : memref<50x4096x128xf32, #tpu.memory_space<hbm>> -> memref<1x4096x128xf32, #tpu.memory_space<hbm>>
    %dma_start3A_134 = tpu.memref_squeeze %dma_start3A_133 : memref<1x4096x128xf32, #tpu.memory_space<hbm>> -> memref<4096x128xf32, #tpu.memory_space<hbm>>
    %dma_start3A_135 = arith.constant 0 : i32
    %dma_start3A_136 = tpu.memref_slice %dma_start3A_134[%mul3A_2, %dma_start3A_135] : memref<4096x128xf32, #tpu.memory_space<hbm>> -> memref<128x128xf32, #tpu.memory_space<hbm>>
    %dma_start3A_137 = arith.constant 0 : i32
    %dma_start3A_138 = arith.constant 0 : i32
    %dma_start3A_139 = tpu.memref_slice %arg6[%dma_start3A_119, %dma_start3A_137, %dma_start3A_138] : memref<7x128x128xf32, #tpu.memory_space<vmem>> -> memref<1x128x128xf32, #tpu.memory_space<vmem>>
    %dma_start3A_140 = tpu.memref_squeeze %dma_start3A_139 : memref<1x128x128xf32, #tpu.memory_space<vmem>> -> memref<128x128xf32, #tpu.memory_space<vmem>>
    tpu.enqueue_dma source(%dma_start3A_140 : memref<128x128xf32, #tpu.memory_space<vmem>>) target(%dma_start3A_136 : memref<128x128xf32, #tpu.memory_space<hbm>>) target_semaphore(%arg15 : memref<!tpu.dma_semaphore, #tpu.memory_space<semaphore_mem>>)
    %dma_start3A_141 = arith.constant 6 : i32
    %dma_start3A_142 = arith.constant 6 : i32
    %dma_start3A_143 = arith.constant 0 : i32
    %dma_start3A_144 = arith.constant 0 : i32
    %dma_start3A_145 = tpu.memref_slice %arg6[%dma_start3A_142, %dma_start3A_143, %dma_start3A_144] : memref<7x128x128xf32, #tpu.memory_space<vmem>> -> memref<1x128x128xf32, #tpu.memory_space<vmem>>
    %dma_start3A_146 = tpu.memref_squeeze %dma_start3A_145 : memref<1x128x128xf32, #tpu.memory_space<vmem>> -> memref<128x128xf32, #tpu.memory_space<vmem>>
    %dma_start3A_147 = arith.constant 0 : i32
    %dma_start3A_148 = tpu.memref_slice %arg5[%dma_start3A_141, %dma_start3A_147] : memref<50x128xi32, #tpu.memory_space<vmem>> -> memref<1x128xi32, #tpu.memory_space<vmem>>
    %dma_start3A_149 = tpu.memref_squeeze %dma_start3A_148 : memref<1x128xi32, #tpu.memory_space<vmem>> -> memref<128xi32, #tpu.memory_space<vmem>>
    %dma_start3A_150 = arith.constant 0 : i32
    %dma_start3A_151 = arith.constant 0 : i32
    %dma_start3A_152 = tpu.memref_slice %arg3[%dma_start3A_150, %dma_start3A_151] : memref<100000x128xf32, #tpu.memory_space<hbm>> -> memref<100000x128xf32, #tpu.memory_space<hbm>>
    tpu.enqueue_indirect_dma source(%dma_start3A_152 : memref<100000x128xf32, #tpu.memory_space<hbm>>) target(%dma_start3A_146 : memref<128x128xf32, #tpu.memory_space<vmem>>) offsets(%dma_start3A_149 : memref<128xi32, #tpu.memory_space<vmem>>) semaphore(%arg13 : memref<!tpu.dma_semaphore, #tpu.memory_space<semaphore_mem>>)
    %scan3A = arith.constant 0 : i32
    %scan3A_153 = arith.constant 0 : i32
    %scan3A_154 = arith.constant 6 : i32
    %scan3A_155 = arith.addi %scan3A_153, %scan3A_154 : i32
    %scan3A_156 = arith.constant 1 : i32
    scf.for %scan3A_550 = %scan3A_153 to %scan3A_155 step %scan3A_156  : i32 {
      %mul3A_551 = arith.constant 7 : i32
      %mul3A_552 = arith.muli %scan3A_550, %mul3A_551 : i32
      %add3A_553 = arith.constant 2 : i32
      %add3A_554 = arith.addi %add3A_553, %mul3A_552 : i32
      %add3A_555 = arith.constant 0 : i32
      %add3A_556 = arith.addi %add3A_554, %add3A_555 : i32
      %dma_wait3A_557 = arith.constant 2 : i32
      %dma_wait3A_558 = arith.constant 0 : i32
      %dma_wait3A_559 = arith.constant 0 : i32
      %dma_wait3A_560 = tpu.memref_slice %arg6[%dma_wait3A_557, %dma_wait3A_558, %dma_wait3A_559] : memref<7x128x128xf32, #tpu.memory_space<vmem>> -> memref<1x128x128xf32, #tpu.memory_space<vmem>>
      %dma_wait3A_561 = tpu.memref_squeeze %dma_wait3A_560 : memref<1x128x128xf32, #tpu.memory_space<vmem>> -> memref<128x128xf32, #tpu.memory_space<vmem>>
      %dma_wait3A_562 = arith.constant 0 : i32
      %dma_wait3A_563 = tpu.memref_slice %arg5[%add3A_556, %dma_wait3A_562] : memref<50x128xi32, #tpu.memory_space<vmem>> -> memref<1x128xi32, #tpu.memory_space<vmem>>
      %dma_wait3A_564 = tpu.memref_squeeze %dma_wait3A_563 : memref<1x128xi32, #tpu.memory_space<vmem>> -> memref<128xi32, #tpu.memory_space<vmem>>
      %dma_wait3A_565 = arith.constant 0 : i32
      %dma_wait3A_566 = arith.constant 0 : i32
      %dma_wait3A_567 = tpu.memref_slice %arg3[%dma_wait3A_565, %dma_wait3A_566] : memref<100000x128xf32, #tpu.memory_space<hbm>> -> memref<100000x128xf32, #tpu.memory_space<hbm>>
      tpu.wait_indirect_dma semaphore(%arg9 : memref<!tpu.dma_semaphore, #tpu.memory_space<semaphore_mem>>) src(%dma_wait3A_567 : memref<100000x128xf32, #tpu.memory_space<hbm>>) dst(%dma_wait3A_561 : memref<128x128xf32, #tpu.memory_space<vmem>>)
      %dma_start3A_568 = arith.constant 2 : i32
      %dma_start3A_569 = arith.constant 0 : i32
      %dma_start3A_570 = arith.constant 0 : i32
      %dma_start3A_571 = tpu.memref_slice %arg6[%dma_start3A_568, %dma_start3A_569, %dma_start3A_570] : memref<7x128x128xf32, #tpu.memory_space<vmem>> -> memref<1x128x128xf32, #tpu.memory_space<vmem>>
      %dma_start3A_572 = tpu.memref_squeeze %dma_start3A_571 : memref<1x128x128xf32, #tpu.memory_space<vmem>> -> memref<128x128xf32, #tpu.memory_space<vmem>>
      %dma_start3A_573 = arith.constant 0 : i32
      %dma_start3A_574 = arith.constant 0 : i32
      %dma_start3A_575 = tpu.memref_slice %arg4[%add3A_556, %dma_start3A_573, %dma_start3A_574] : memref<50x4096x128xf32, #tpu.memory_space<hbm>> -> memref<1x4096x128xf32, #tpu.memory_space<hbm>>
      %dma_start3A_576 = tpu.memref_squeeze %dma_start3A_575 : memref<1x4096x128xf32, #tpu.memory_space<hbm>> -> memref<4096x128xf32, #tpu.memory_space<hbm>>
      %dma_start3A_577 = arith.constant 0 : i32
      %dma_start3A_578 = tpu.memref_slice %dma_start3A_576[%mul3A_2, %dma_start3A_577] : memref<4096x128xf32, #tpu.memory_space<hbm>> -> memref<128x128xf32, #tpu.memory_space<hbm>>
      %dma_start3A_579 = arith.constant 0 : i32
      %dma_start3A_580 = arith.constant 0 : i32
      %dma_start3A_581 = tpu.memref_slice %arg4[%add3A_556, %dma_start3A_579, %dma_start3A_580] : memref<50x4096x128xf32, #tpu.memory_space<hbm>> -> memref<1x4096x128xf32, #tpu.memory_space<hbm>>
      %dma_start3A_582 = tpu.memref_squeeze %dma_start3A_581 : memref<1x4096x128xf32, #tpu.memory_space<hbm>> -> memref<4096x128xf32, #tpu.memory_space<hbm>>
      %dma_start3A_583 = arith.constant 0 : i32
      %dma_start3A_584 = tpu.memref_slice %dma_start3A_582[%mul3A_2, %dma_start3A_583] : memref<4096x128xf32, #tpu.memory_space<hbm>> -> memref<128x128xf32, #tpu.memory_space<hbm>>
      %dma_start3A_585 = arith.constant 0 : i32
      %dma_start3A_586 = arith.constant 0 : i32
      %dma_start3A_587 = tpu.memref_slice %arg6[%dma_start3A_568, %dma_start3A_585, %dma_start3A_586] : memref<7x128x128xf32, #tpu.memory_space<vmem>> -> memref<1x128x128xf32, #tpu.memory_space<vmem>>
      %dma_start3A_588 = tpu.memref_squeeze %dma_start3A_587 : memref<1x128x128xf32, #tpu.memory_space<vmem>> -> memref<128x128xf32, #tpu.memory_space<vmem>>
      tpu.enqueue_dma source(%dma_start3A_588 : memref<128x128xf32, #tpu.memory_space<vmem>>) target(%dma_start3A_584 : memref<128x128xf32, #tpu.memory_space<hbm>>) target_semaphore(%arg16 : memref<!tpu.dma_semaphore, #tpu.memory_space<semaphore_mem>>)
      %sub3A = arith.constant 2 : i32
      %sub3A_589 = arith.subi %add3A_556, %sub3A : i32
      %dma_wait3A_590 = arith.constant 0 : i32
      %dma_wait3A_591 = arith.constant 0 : i32
      %dma_wait3A_592 = arith.constant 0 : i32
      %dma_wait3A_593 = tpu.memref_slice %arg6[%dma_wait3A_590, %dma_wait3A_591, %dma_wait3A_592] : memref<7x128x128xf32, #tpu.memory_space<vmem>> -> memref<1x128x128xf32, #tpu.memory_space<vmem>>
      %dma_wait3A_594 = tpu.memref_squeeze %dma_wait3A_593 : memref<1x128x128xf32, #tpu.memory_space<vmem>> -> memref<128x128xf32, #tpu.memory_space<vmem>>
      %dma_wait3A_595 = arith.constant 0 : i32
      %dma_wait3A_596 = arith.constant 0 : i32
      %dma_wait3A_597 = tpu.memref_slice %arg4[%sub3A_589, %dma_wait3A_595, %dma_wait3A_596] : memref<50x4096x128xf32, #tpu.memory_space<hbm>> -> memref<1x4096x128xf32, #tpu.memory_space<hbm>>
      %dma_wait3A_598 = tpu.memref_squeeze %dma_wait3A_597 : memref<1x4096x128xf32, #tpu.memory_space<hbm>> -> memref<4096x128xf32, #tpu.memory_space<hbm>>
      %dma_wait3A_599 = arith.constant 0 : i32
      %dma_wait3A_600 = tpu.memref_slice %dma_wait3A_598[%mul3A_2, %dma_wait3A_599] : memref<4096x128xf32, #tpu.memory_space<hbm>> -> memref<128x128xf32, #tpu.memory_space<hbm>>
      %dma_wait3A_601 = arith.constant 0 : i32
      %dma_wait3A_602 = arith.constant 0 : i32
      %dma_wait3A_603 = tpu.memref_slice %arg4[%sub3A_589, %dma_wait3A_601, %dma_wait3A_602] : memref<50x4096x128xf32, #tpu.memory_space<hbm>> -> memref<1x4096x128xf32, #tpu.memory_space<hbm>>
      %dma_wait3A_604 = tpu.memref_squeeze %dma_wait3A_603 : memref<1x4096x128xf32, #tpu.memory_space<hbm>> -> memref<4096x128xf32, #tpu.memory_space<hbm>>
      %dma_wait3A_605 = arith.constant 0 : i32
      %dma_wait3A_606 = tpu.memref_slice %dma_wait3A_604[%mul3A_2, %dma_wait3A_605] : memref<4096x128xf32, #tpu.memory_space<hbm>> -> memref<128x128xf32, #tpu.memory_space<hbm>>
      %dma_wait3A_607 = arith.constant 0 : i32
      %dma_wait3A_608 = arith.constant 0 : i32
      %dma_wait3A_609 = tpu.memref_slice %arg6[%dma_wait3A_590, %dma_wait3A_607, %dma_wait3A_608] : memref<7x128x128xf32, #tpu.memory_space<vmem>> -> memref<1x128x128xf32, #tpu.memory_space<vmem>>
      %dma_wait3A_610 = tpu.memref_squeeze %dma_wait3A_609 : memref<1x128x128xf32, #tpu.memory_space<vmem>> -> memref<128x128xf32, #tpu.memory_space<vmem>>
      tpu.wait_dma2 semaphore(%arg14 : memref<!tpu.dma_semaphore, #tpu.memory_space<semaphore_mem>>) src(%dma_wait3A_610 : memref<128x128xf32, #tpu.memory_space<vmem>>) dst(%dma_wait3A_606 : memref<128x128xf32, #tpu.memory_space<hbm>>)
      %add3A_611 = arith.constant 5 : i32
      %add3A_612 = arith.addi %add3A_556, %add3A_611 : i32
      %dma_start3A_613 = arith.constant 0 : i32
      %dma_start3A_614 = arith.constant 0 : i32
      %dma_start3A_615 = arith.constant 0 : i32
      %dma_start3A_616 = tpu.memref_slice %arg6[%dma_start3A_613, %dma_start3A_614, %dma_start3A_615] : memref<7x128x128xf32, #tpu.memory_space<vmem>> -> memref<1x128x128xf32, #tpu.memory_space<vmem>>
      %dma_start3A_617 = tpu.memref_squeeze %dma_start3A_616 : memref<1x128x128xf32, #tpu.memory_space<vmem>> -> memref<128x128xf32, #tpu.memory_space<vmem>>
      %dma_start3A_618 = arith.constant 0 : i32
      %dma_start3A_619 = tpu.memref_slice %arg5[%add3A_612, %dma_start3A_618] : memref<50x128xi32, #tpu.memory_space<vmem>> -> memref<1x128xi32, #tpu.memory_space<vmem>>
      %dma_start3A_620 = tpu.memref_squeeze %dma_start3A_619 : memref<1x128xi32, #tpu.memory_space<vmem>> -> memref<128xi32, #tpu.memory_space<vmem>>
      %dma_start3A_621 = arith.constant 0 : i32
      %dma_start3A_622 = arith.constant 0 : i32
      %dma_start3A_623 = tpu.memref_slice %arg3[%dma_start3A_621, %dma_start3A_622] : memref<100000x128xf32, #tpu.memory_space<hbm>> -> memref<100000x128xf32, #tpu.memory_space<hbm>>
      tpu.enqueue_indirect_dma source(%dma_start3A_623 : memref<100000x128xf32, #tpu.memory_space<hbm>>) target(%dma_start3A_617 : memref<128x128xf32, #tpu.memory_space<vmem>>) offsets(%dma_start3A_620 : memref<128xi32, #tpu.memory_space<vmem>>) semaphore(%arg7 : memref<!tpu.dma_semaphore, #tpu.memory_space<semaphore_mem>>)
      %add3A_624 = arith.constant 1 : i32
      %add3A_625 = arith.addi %add3A_554, %add3A_624 : i32
      %dma_wait3A_626 = arith.constant 3 : i32
      %dma_wait3A_627 = arith.constant 0 : i32
      %dma_wait3A_628 = arith.constant 0 : i32
      %dma_wait3A_629 = tpu.memref_slice %arg6[%dma_wait3A_626, %dma_wait3A_627, %dma_wait3A_628] : memref<7x128x128xf32, #tpu.memory_space<vmem>> -> memref<1x128x128xf32, #tpu.memory_space<vmem>>
      %dma_wait3A_630 = tpu.memref_squeeze %dma_wait3A_629 : memref<1x128x128xf32, #tpu.memory_space<vmem>> -> memref<128x128xf32, #tpu.memory_space<vmem>>
      %dma_wait3A_631 = arith.constant 0 : i32
      %dma_wait3A_632 = tpu.memref_slice %arg5[%add3A_625, %dma_wait3A_631] : memref<50x128xi32, #tpu.memory_space<vmem>> -> memref<1x128xi32, #tpu.memory_space<vmem>>
      %dma_wait3A_633 = tpu.memref_squeeze %dma_wait3A_632 : memref<1x128xi32, #tpu.memory_space<vmem>> -> memref<128xi32, #tpu.memory_space<vmem>>
      %dma_wait3A_634 = arith.constant 0 : i32
      %dma_wait3A_635 = arith.constant 0 : i32
      %dma_wait3A_636 = tpu.memref_slice %arg3[%dma_wait3A_634, %dma_wait3A_635] : memref<100000x128xf32, #tpu.memory_space<hbm>> -> memref<100000x128xf32, #tpu.memory_space<hbm>>
      tpu.wait_indirect_dma semaphore(%arg10 : memref<!tpu.dma_semaphore, #tpu.memory_space<semaphore_mem>>) src(%dma_wait3A_636 : memref<100000x128xf32, #tpu.memory_space<hbm>>) dst(%dma_wait3A_630 : memref<128x128xf32, #tpu.memory_space<vmem>>)
      %dma_start3A_637 = arith.constant 3 : i32
      %dma_start3A_638 = arith.constant 0 : i32
      %dma_start3A_639 = arith.constant 0 : i32
      %dma_start3A_640 = tpu.memref_slice %arg6[%dma_start3A_637, %dma_start3A_638, %dma_start3A_639] : memref<7x128x128xf32, #tpu.memory_space<vmem>> -> memref<1x128x128xf32, #tpu.memory_space<vmem>>
      %dma_start3A_641 = tpu.memref_squeeze %dma_start3A_640 : memref<1x128x128xf32, #tpu.memory_space<vmem>> -> memref<128x128xf32, #tpu.memory_space<vmem>>
      %dma_start3A_642 = arith.constant 0 : i32
      %dma_start3A_643 = arith.constant 0 : i32
      %dma_start3A_644 = tpu.memref_slice %arg4[%add3A_625, %dma_start3A_642, %dma_start3A_643] : memref<50x4096x128xf32, #tpu.memory_space<hbm>> -> memref<1x4096x128xf32, #tpu.memory_space<hbm>>
      %dma_start3A_645 = tpu.memref_squeeze %dma_start3A_644 : memref<1x4096x128xf32, #tpu.memory_space<hbm>> -> memref<4096x128xf32, #tpu.memory_space<hbm>>
      %dma_start3A_646 = arith.constant 0 : i32
      %dma_start3A_647 = tpu.memref_slice %dma_start3A_645[%mul3A_2, %dma_start3A_646] : memref<4096x128xf32, #tpu.memory_space<hbm>> -> memref<128x128xf32, #tpu.memory_space<hbm>>
      %dma_start3A_648 = arith.constant 0 : i32
      %dma_start3A_649 = arith.constant 0 : i32
      %dma_start3A_650 = tpu.memref_slice %arg4[%add3A_625, %dma_start3A_648, %dma_start3A_649] : memref<50x4096x128xf32, #tpu.memory_space<hbm>> -> memref<1x4096x128xf32, #tpu.memory_space<hbm>>
      %dma_start3A_651 = tpu.memref_squeeze %dma_start3A_650 : memref<1x4096x128xf32, #tpu.memory_space<hbm>> -> memref<4096x128xf32, #tpu.memory_space<hbm>>
      %dma_start3A_652 = arith.constant 0 : i32
      %dma_start3A_653 = tpu.memref_slice %dma_start3A_651[%mul3A_2, %dma_start3A_652] : memref<4096x128xf32, #tpu.memory_space<hbm>> -> memref<128x128xf32, #tpu.memory_space<hbm>>
      %dma_start3A_654 = arith.constant 0 : i32
      %dma_start3A_655 = arith.constant 0 : i32
      %dma_start3A_656 = tpu.memref_slice %arg6[%dma_start3A_637, %dma_start3A_654, %dma_start3A_655] : memref<7x128x128xf32, #tpu.memory_space<vmem>> -> memref<1x128x128xf32, #tpu.memory_space<vmem>>
      %dma_start3A_657 = tpu.memref_squeeze %dma_start3A_656 : memref<1x128x128xf32, #tpu.memory_space<vmem>> -> memref<128x128xf32, #tpu.memory_space<vmem>>
      tpu.enqueue_dma source(%dma_start3A_657 : memref<128x128xf32, #tpu.memory_space<vmem>>) target(%dma_start3A_653 : memref<128x128xf32, #tpu.memory_space<hbm>>) target_semaphore(%arg17 : memref<!tpu.dma_semaphore, #tpu.memory_space<semaphore_mem>>)
      %sub3A_658 = arith.constant 2 : i32
      %sub3A_659 = arith.subi %add3A_625, %sub3A_658 : i32
      %dma_wait3A_660 = arith.constant 1 : i32
      %dma_wait3A_661 = arith.constant 0 : i32
      %dma_wait3A_662 = arith.constant 0 : i32
      %dma_wait3A_663 = tpu.memref_slice %arg6[%dma_wait3A_660, %dma_wait3A_661, %dma_wait3A_662] : memref<7x128x128xf32, #tpu.memory_space<vmem>> -> memref<1x128x128xf32, #tpu.memory_space<vmem>>
      %dma_wait3A_664 = tpu.memref_squeeze %dma_wait3A_663 : memref<1x128x128xf32, #tpu.memory_space<vmem>> -> memref<128x128xf32, #tpu.memory_space<vmem>>
      %dma_wait3A_665 = arith.constant 0 : i32
      %dma_wait3A_666 = arith.constant 0 : i32
      %dma_wait3A_667 = tpu.memref_slice %arg4[%sub3A_659, %dma_wait3A_665, %dma_wait3A_666] : memref<50x4096x128xf32, #tpu.memory_space<hbm>> -> memref<1x4096x128xf32, #tpu.memory_space<hbm>>
      %dma_wait3A_668 = tpu.memref_squeeze %dma_wait3A_667 : memref<1x4096x128xf32, #tpu.memory_space<hbm>> -> memref<4096x128xf32, #tpu.memory_space<hbm>>
      %dma_wait3A_669 = arith.constant 0 : i32
      %dma_wait3A_670 = tpu.memref_slice %dma_wait3A_668[%mul3A_2, %dma_wait3A_669] : memref<4096x128xf32, #tpu.memory_space<hbm>> -> memref<128x128xf32, #tpu.memory_space<hbm>>
      %dma_wait3A_671 = arith.constant 0 : i32
      %dma_wait3A_672 = arith.constant 0 : i32
      %dma_wait3A_673 = tpu.memref_slice %arg4[%sub3A_659, %dma_wait3A_671, %dma_wait3A_672] : memref<50x4096x128xf32, #tpu.memory_space<hbm>> -> memref<1x4096x128xf32, #tpu.memory_space<hbm>>
      %dma_wait3A_674 = tpu.memref_squeeze %dma_wait3A_673 : memref<1x4096x128xf32, #tpu.memory_space<hbm>> -> memref<4096x128xf32, #tpu.memory_space<hbm>>
      %dma_wait3A_675 = arith.constant 0 : i32
      %dma_wait3A_676 = tpu.memref_slice %dma_wait3A_674[%mul3A_2, %dma_wait3A_675] : memref<4096x128xf32, #tpu.memory_space<hbm>> -> memref<128x128xf32, #tpu.memory_space<hbm>>
      %dma_wait3A_677 = arith.constant 0 : i32
      %dma_wait3A_678 = arith.constant 0 : i32
      %dma_wait3A_679 = tpu.memref_slice %arg6[%dma_wait3A_660, %dma_wait3A_677, %dma_wait3A_678] : memref<7x128x128xf32, #tpu.memory_space<vmem>> -> memref<1x128x128xf32, #tpu.memory_space<vmem>>
      %dma_wait3A_680 = tpu.memref_squeeze %dma_wait3A_679 : memref<1x128x128xf32, #tpu.memory_space<vmem>> -> memref<128x128xf32, #tpu.memory_space<vmem>>
      tpu.wait_dma2 semaphore(%arg15 : memref<!tpu.dma_semaphore, #tpu.memory_space<semaphore_mem>>) src(%dma_wait3A_680 : memref<128x128xf32, #tpu.memory_space<vmem>>) dst(%dma_wait3A_676 : memref<128x128xf32, #tpu.memory_space<hbm>>)
      %add3A_681 = arith.constant 5 : i32
      %add3A_682 = arith.addi %add3A_625, %add3A_681 : i32
      %dma_start3A_683 = arith.constant 1 : i32
      %dma_start3A_684 = arith.constant 0 : i32
      %dma_start3A_685 = arith.constant 0 : i32
      %dma_start3A_686 = tpu.memref_slice %arg6[%dma_start3A_683, %dma_start3A_684, %dma_start3A_685] : memref<7x128x128xf32, #tpu.memory_space<vmem>> -> memref<1x128x128xf32, #tpu.memory_space<vmem>>
      %dma_start3A_687 = tpu.memref_squeeze %dma_start3A_686 : memref<1x128x128xf32, #tpu.memory_space<vmem>> -> memref<128x128xf32, #tpu.memory_space<vmem>>
      %dma_start3A_688 = arith.constant 0 : i32
      %dma_start3A_689 = tpu.memref_slice %arg5[%add3A_682, %dma_start3A_688] : memref<50x128xi32, #tpu.memory_space<vmem>> -> memref<1x128xi32, #tpu.memory_space<vmem>>
      %dma_start3A_690 = tpu.memref_squeeze %dma_start3A_689 : memref<1x128xi32, #tpu.memory_space<vmem>> -> memref<128xi32, #tpu.memory_space<vmem>>
      %dma_start3A_691 = arith.constant 0 : i32
      %dma_start3A_692 = arith.constant 0 : i32
      %dma_start3A_693 = tpu.memref_slice %arg3[%dma_start3A_691, %dma_start3A_692] : memref<100000x128xf32, #tpu.memory_space<hbm>> -> memref<100000x128xf32, #tpu.memory_space<hbm>>
      tpu.enqueue_indirect_dma source(%dma_start3A_693 : memref<100000x128xf32, #tpu.memory_space<hbm>>) target(%dma_start3A_687 : memref<128x128xf32, #tpu.memory_space<vmem>>) offsets(%dma_start3A_690 : memref<128xi32, #tpu.memory_space<vmem>>) semaphore(%arg8 : memref<!tpu.dma_semaphore, #tpu.memory_space<semaphore_mem>>)
      %add3A_694 = arith.constant 2 : i32
      %add3A_695 = arith.addi %add3A_554, %add3A_694 : i32
      %dma_wait3A_696 = arith.constant 4 : i32
      %dma_wait3A_697 = arith.constant 0 : i32
      %dma_wait3A_698 = arith.constant 0 : i32
      %dma_wait3A_699 = tpu.memref_slice %arg6[%dma_wait3A_696, %dma_wait3A_697, %dma_wait3A_698] : memref<7x128x128xf32, #tpu.memory_space<vmem>> -> memref<1x128x128xf32, #tpu.memory_space<vmem>>
      %dma_wait3A_700 = tpu.memref_squeeze %dma_wait3A_699 : memref<1x128x128xf32, #tpu.memory_space<vmem>> -> memref<128x128xf32, #tpu.memory_space<vmem>>
      %dma_wait3A_701 = arith.constant 0 : i32
      %dma_wait3A_702 = tpu.memref_slice %arg5[%add3A_695, %dma_wait3A_701] : memref<50x128xi32, #tpu.memory_space<vmem>> -> memref<1x128xi32, #tpu.memory_space<vmem>>
      %dma_wait3A_703 = tpu.memref_squeeze %dma_wait3A_702 : memref<1x128xi32, #tpu.memory_space<vmem>> -> memref<128xi32, #tpu.memory_space<vmem>>
      %dma_wait3A_704 = arith.constant 0 : i32
      %dma_wait3A_705 = arith.constant 0 : i32
      %dma_wait3A_706 = tpu.memref_slice %arg3[%dma_wait3A_704, %dma_wait3A_705] : memref<100000x128xf32, #tpu.memory_space<hbm>> -> memref<100000x128xf32, #tpu.memory_space<hbm>>
      tpu.wait_indirect_dma semaphore(%arg11 : memref<!tpu.dma_semaphore, #tpu.memory_space<semaphore_mem>>) src(%dma_wait3A_706 : memref<100000x128xf32, #tpu.memory_space<hbm>>) dst(%dma_wait3A_700 : memref<128x128xf32, #tpu.memory_space<vmem>>)
      %dma_start3A_707 = arith.constant 4 : i32
      %dma_start3A_708 = arith.constant 0 : i32
      %dma_start3A_709 = arith.constant 0 : i32
      %dma_start3A_710 = tpu.memref_slice %arg6[%dma_start3A_707, %dma_start3A_708, %dma_start3A_709] : memref<7x128x128xf32, #tpu.memory_space<vmem>> -> memref<1x128x128xf32, #tpu.memory_space<vmem>>
      %dma_start3A_711 = tpu.memref_squeeze %dma_start3A_710 : memref<1x128x128xf32, #tpu.memory_space<vmem>> -> memref<128x128xf32, #tpu.memory_space<vmem>>
      %dma_start3A_712 = arith.constant 0 : i32
      %dma_start3A_713 = arith.constant 0 : i32
      %dma_start3A_714 = tpu.memref_slice %arg4[%add3A_695, %dma_start3A_712, %dma_start3A_713] : memref<50x4096x128xf32, #tpu.memory_space<hbm>> -> memref<1x4096x128xf32, #tpu.memory_space<hbm>>
      %dma_start3A_715 = tpu.memref_squeeze %dma_start3A_714 : memref<1x4096x128xf32, #tpu.memory_space<hbm>> -> memref<4096x128xf32, #tpu.memory_space<hbm>>
      %dma_start3A_716 = arith.constant 0 : i32
      %dma_start3A_717 = tpu.memref_slice %dma_start3A_715[%mul3A_2, %dma_start3A_716] : memref<4096x128xf32, #tpu.memory_space<hbm>> -> memref<128x128xf32, #tpu.memory_space<hbm>>
      %dma_start3A_718 = arith.constant 0 : i32
      %dma_start3A_719 = arith.constant 0 : i32
      %dma_start3A_720 = tpu.memref_slice %arg4[%add3A_695, %dma_start3A_718, %dma_start3A_719] : memref<50x4096x128xf32, #tpu.memory_space<hbm>> -> memref<1x4096x128xf32, #tpu.memory_space<hbm>>
      %dma_start3A_721 = tpu.memref_squeeze %dma_start3A_720 : memref<1x4096x128xf32, #tpu.memory_space<hbm>> -> memref<4096x128xf32, #tpu.memory_space<hbm>>
      %dma_start3A_722 = arith.constant 0 : i32
      %dma_start3A_723 = tpu.memref_slice %dma_start3A_721[%mul3A_2, %dma_start3A_722] : memref<4096x128xf32, #tpu.memory_space<hbm>> -> memref<128x128xf32, #tpu.memory_space<hbm>>
      %dma_start3A_724 = arith.constant 0 : i32
      %dma_start3A_725 = arith.constant 0 : i32
      %dma_start3A_726 = tpu.memref_slice %arg6[%dma_start3A_707, %dma_start3A_724, %dma_start3A_725] : memref<7x128x128xf32, #tpu.memory_space<vmem>> -> memref<1x128x128xf32, #tpu.memory_space<vmem>>
      %dma_start3A_727 = tpu.memref_squeeze %dma_start3A_726 : memref<1x128x128xf32, #tpu.memory_space<vmem>> -> memref<128x128xf32, #tpu.memory_space<vmem>>
      tpu.enqueue_dma source(%dma_start3A_727 : memref<128x128xf32, #tpu.memory_space<vmem>>) target(%dma_start3A_723 : memref<128x128xf32, #tpu.memory_space<hbm>>) target_semaphore(%arg18 : memref<!tpu.dma_semaphore, #tpu.memory_space<semaphore_mem>>)
      %sub3A_728 = arith.constant 2 : i32
      %sub3A_729 = arith.subi %add3A_695, %sub3A_728 : i32
      %dma_wait3A_730 = arith.constant 2 : i32
      %dma_wait3A_731 = arith.constant 0 : i32
      %dma_wait3A_732 = arith.constant 0 : i32
      %dma_wait3A_733 = tpu.memref_slice %arg6[%dma_wait3A_730, %dma_wait3A_731, %dma_wait3A_732] : memref<7x128x128xf32, #tpu.memory_space<vmem>> -> memref<1x128x128xf32, #tpu.memory_space<vmem>>
      %dma_wait3A_734 = tpu.memref_squeeze %dma_wait3A_733 : memref<1x128x128xf32, #tpu.memory_space<vmem>> -> memref<128x128xf32, #tpu.memory_space<vmem>>
      %dma_wait3A_735 = arith.constant 0 : i32
      %dma_wait3A_736 = arith.constant 0 : i32
      %dma_wait3A_737 = tpu.memref_slice %arg4[%sub3A_729, %dma_wait3A_735, %dma_wait3A_736] : memref<50x4096x128xf32, #tpu.memory_space<hbm>> -> memref<1x4096x128xf32, #tpu.memory_space<hbm>>
      %dma_wait3A_738 = tpu.memref_squeeze %dma_wait3A_737 : memref<1x4096x128xf32, #tpu.memory_space<hbm>> -> memref<4096x128xf32, #tpu.memory_space<hbm>>
      %dma_wait3A_739 = arith.constant 0 : i32
      %dma_wait3A_740 = tpu.memref_slice %dma_wait3A_738[%mul3A_2, %dma_wait3A_739] : memref<4096x128xf32, #tpu.memory_space<hbm>> -> memref<128x128xf32, #tpu.memory_space<hbm>>
      %dma_wait3A_741 = arith.constant 0 : i32
      %dma_wait3A_742 = arith.constant 0 : i32
      %dma_wait3A_743 = tpu.memref_slice %arg4[%sub3A_729, %dma_wait3A_741, %dma_wait3A_742] : memref<50x4096x128xf32, #tpu.memory_space<hbm>> -> memref<1x4096x128xf32, #tpu.memory_space<hbm>>
      %dma_wait3A_744 = tpu.memref_squeeze %dma_wait3A_743 : memref<1x4096x128xf32, #tpu.memory_space<hbm>> -> memref<4096x128xf32, #tpu.memory_space<hbm>>
      %dma_wait3A_745 = arith.constant 0 : i32
      %dma_wait3A_746 = tpu.memref_slice %dma_wait3A_744[%mul3A_2, %dma_wait3A_745] : memref<4096x128xf32, #tpu.memory_space<hbm>> -> memref<128x128xf32, #tpu.memory_space<hbm>>
      %dma_wait3A_747 = arith.constant 0 : i32
      %dma_wait3A_748 = arith.constant 0 : i32
      %dma_wait3A_749 = tpu.memref_slice %arg6[%dma_wait3A_730, %dma_wait3A_747, %dma_wait3A_748] : memref<7x128x128xf32, #tpu.memory_space<vmem>> -> memref<1x128x128xf32, #tpu.memory_space<vmem>>
      %dma_wait3A_750 = tpu.memref_squeeze %dma_wait3A_749 : memref<1x128x128xf32, #tpu.memory_space<vmem>> -> memref<128x128xf32, #tpu.memory_space<vmem>>
      tpu.wait_dma2 semaphore(%arg16 : memref<!tpu.dma_semaphore, #tpu.memory_space<semaphore_mem>>) src(%dma_wait3A_750 : memref<128x128xf32, #tpu.memory_space<vmem>>) dst(%dma_wait3A_746 : memref<128x128xf32, #tpu.memory_space<hbm>>)
      %add3A_751 = arith.constant 5 : i32
      %add3A_752 = arith.addi %add3A_695, %add3A_751 : i32
      %dma_start3A_753 = arith.constant 2 : i32
      %dma_start3A_754 = arith.constant 0 : i32
      %dma_start3A_755 = arith.constant 0 : i32
      %dma_start3A_756 = tpu.memref_slice %arg6[%dma_start3A_753, %dma_start3A_754, %dma_start3A_755] : memref<7x128x128xf32, #tpu.memory_space<vmem>> -> memref<1x128x128xf32, #tpu.memory_space<vmem>>
      %dma_start3A_757 = tpu.memref_squeeze %dma_start3A_756 : memref<1x128x128xf32, #tpu.memory_space<vmem>> -> memref<128x128xf32, #tpu.memory_space<vmem>>
      %dma_start3A_758 = arith.constant 0 : i32
      %dma_start3A_759 = tpu.memref_slice %arg5[%add3A_752, %dma_start3A_758] : memref<50x128xi32, #tpu.memory_space<vmem>> -> memref<1x128xi32, #tpu.memory_space<vmem>>
      %dma_start3A_760 = tpu.memref_squeeze %dma_start3A_759 : memref<1x128xi32, #tpu.memory_space<vmem>> -> memref<128xi32, #tpu.memory_space<vmem>>
      %dma_start3A_761 = arith.constant 0 : i32
      %dma_start3A_762 = arith.constant 0 : i32
      %dma_start3A_763 = tpu.memref_slice %arg3[%dma_start3A_761, %dma_start3A_762] : memref<100000x128xf32, #tpu.memory_space<hbm>> -> memref<100000x128xf32, #tpu.memory_space<hbm>>
      tpu.enqueue_indirect_dma source(%dma_start3A_763 : memref<100000x128xf32, #tpu.memory_space<hbm>>) target(%dma_start3A_757 : memref<128x128xf32, #tpu.memory_space<vmem>>) offsets(%dma_start3A_760 : memref<128xi32, #tpu.memory_space<vmem>>) semaphore(%arg9 : memref<!tpu.dma_semaphore, #tpu.memory_space<semaphore_mem>>)
      %add3A_764 = arith.constant 3 : i32
      %add3A_765 = arith.addi %add3A_554, %add3A_764 : i32
      %dma_wait3A_766 = arith.constant 5 : i32
      %dma_wait3A_767 = arith.constant 0 : i32
      %dma_wait3A_768 = arith.constant 0 : i32
      %dma_wait3A_769 = tpu.memref_slice %arg6[%dma_wait3A_766, %dma_wait3A_767, %dma_wait3A_768] : memref<7x128x128xf32, #tpu.memory_space<vmem>> -> memref<1x128x128xf32, #tpu.memory_space<vmem>>
      %dma_wait3A_770 = tpu.memref_squeeze %dma_wait3A_769 : memref<1x128x128xf32, #tpu.memory_space<vmem>> -> memref<128x128xf32, #tpu.memory_space<vmem>>
      %dma_wait3A_771 = arith.constant 0 : i32
      %dma_wait3A_772 = tpu.memref_slice %arg5[%add3A_765, %dma_wait3A_771] : memref<50x128xi32, #tpu.memory_space<vmem>> -> memref<1x128xi32, #tpu.memory_space<vmem>>
      %dma_wait3A_773 = tpu.memref_squeeze %dma_wait3A_772 : memref<1x128xi32, #tpu.memory_space<vmem>> -> memref<128xi32, #tpu.memory_space<vmem>>
      %dma_wait3A_774 = arith.constant 0 : i32
      %dma_wait3A_775 = arith.constant 0 : i32
      %dma_wait3A_776 = tpu.memref_slice %arg3[%dma_wait3A_774, %dma_wait3A_775] : memref<100000x128xf32, #tpu.memory_space<hbm>> -> memref<100000x128xf32, #tpu.memory_space<hbm>>
      tpu.wait_indirect_dma semaphore(%arg12 : memref<!tpu.dma_semaphore, #tpu.memory_space<semaphore_mem>>) src(%dma_wait3A_776 : memref<100000x128xf32, #tpu.memory_space<hbm>>) dst(%dma_wait3A_770 : memref<128x128xf32, #tpu.memory_space<vmem>>)
      %dma_start3A_777 = arith.constant 5 : i32
      %dma_start3A_778 = arith.constant 0 : i32
      %dma_start3A_779 = arith.constant 0 : i32
      %dma_start3A_780 = tpu.memref_slice %arg6[%dma_start3A_777, %dma_start3A_778, %dma_start3A_779] : memref<7x128x128xf32, #tpu.memory_space<vmem>> -> memref<1x128x128xf32, #tpu.memory_space<vmem>>
      %dma_start3A_781 = tpu.memref_squeeze %dma_start3A_780 : memref<1x128x128xf32, #tpu.memory_space<vmem>> -> memref<128x128xf32, #tpu.memory_space<vmem>>
      %dma_start3A_782 = arith.constant 0 : i32
      %dma_start3A_783 = arith.constant 0 : i32
      %dma_start3A_784 = tpu.memref_slice %arg4[%add3A_765, %dma_start3A_782, %dma_start3A_783] : memref<50x4096x128xf32, #tpu.memory_space<hbm>> -> memref<1x4096x128xf32, #tpu.memory_space<hbm>>
      %dma_start3A_785 = tpu.memref_squeeze %dma_start3A_784 : memref<1x4096x128xf32, #tpu.memory_space<hbm>> -> memref<4096x128xf32, #tpu.memory_space<hbm>>
      %dma_start3A_786 = arith.constant 0 : i32
      %dma_start3A_787 = tpu.memref_slice %dma_start3A_785[%mul3A_2, %dma_start3A_786] : memref<4096x128xf32, #tpu.memory_space<hbm>> -> memref<128x128xf32, #tpu.memory_space<hbm>>
      %dma_start3A_788 = arith.constant 0 : i32
      %dma_start3A_789 = arith.constant 0 : i32
      %dma_start3A_790 = tpu.memref_slice %arg4[%add3A_765, %dma_start3A_788, %dma_start3A_789] : memref<50x4096x128xf32, #tpu.memory_space<hbm>> -> memref<1x4096x128xf32, #tpu.memory_space<hbm>>
      %dma_start3A_791 = tpu.memref_squeeze %dma_start3A_790 : memref<1x4096x128xf32, #tpu.memory_space<hbm>> -> memref<4096x128xf32, #tpu.memory_space<hbm>>
      %dma_start3A_792 = arith.constant 0 : i32
      %dma_start3A_793 = tpu.memref_slice %dma_start3A_791[%mul3A_2, %dma_start3A_792] : memref<4096x128xf32, #tpu.memory_space<hbm>> -> memref<128x128xf32, #tpu.memory_space<hbm>>
      %dma_start3A_794 = arith.constant 0 : i32
      %dma_start3A_795 = arith.constant 0 : i32
      %dma_start3A_796 = tpu.memref_slice %arg6[%dma_start3A_777, %dma_start3A_794, %dma_start3A_795] : memref<7x128x128xf32, #tpu.memory_space<vmem>> -> memref<1x128x128xf32, #tpu.memory_space<vmem>>
      %dma_start3A_797 = tpu.memref_squeeze %dma_start3A_796 : memref<1x128x128xf32, #tpu.memory_space<vmem>> -> memref<128x128xf32, #tpu.memory_space<vmem>>
      tpu.enqueue_dma source(%dma_start3A_797 : memref<128x128xf32, #tpu.memory_space<vmem>>) target(%dma_start3A_793 : memref<128x128xf32, #tpu.memory_space<hbm>>) target_semaphore(%arg19 : memref<!tpu.dma_semaphore, #tpu.memory_space<semaphore_mem>>)
      %sub3A_798 = arith.constant 2 : i32
      %sub3A_799 = arith.subi %add3A_765, %sub3A_798 : i32
      %dma_wait3A_800 = arith.constant 3 : i32
      %dma_wait3A_801 = arith.constant 0 : i32
      %dma_wait3A_802 = arith.constant 0 : i32
      %dma_wait3A_803 = tpu.memref_slice %arg6[%dma_wait3A_800, %dma_wait3A_801, %dma_wait3A_802] : memref<7x128x128xf32, #tpu.memory_space<vmem>> -> memref<1x128x128xf32, #tpu.memory_space<vmem>>
      %dma_wait3A_804 = tpu.memref_squeeze %dma_wait3A_803 : memref<1x128x128xf32, #tpu.memory_space<vmem>> -> memref<128x128xf32, #tpu.memory_space<vmem>>
      %dma_wait3A_805 = arith.constant 0 : i32
      %dma_wait3A_806 = arith.constant 0 : i32
      %dma_wait3A_807 = tpu.memref_slice %arg4[%sub3A_799, %dma_wait3A_805, %dma_wait3A_806] : memref<50x4096x128xf32, #tpu.memory_space<hbm>> -> memref<1x4096x128xf32, #tpu.memory_space<hbm>>
      %dma_wait3A_808 = tpu.memref_squeeze %dma_wait3A_807 : memref<1x4096x128xf32, #tpu.memory_space<hbm>> -> memref<4096x128xf32, #tpu.memory_space<hbm>>
      %dma_wait3A_809 = arith.constant 0 : i32
      %dma_wait3A_810 = tpu.memref_slice %dma_wait3A_808[%mul3A_2, %dma_wait3A_809] : memref<4096x128xf32, #tpu.memory_space<hbm>> -> memref<128x128xf32, #tpu.memory_space<hbm>>
      %dma_wait3A_811 = arith.constant 0 : i32
      %dma_wait3A_812 = arith.constant 0 : i32
      %dma_wait3A_813 = tpu.memref_slice %arg4[%sub3A_799, %dma_wait3A_811, %dma_wait3A_812] : memref<50x4096x128xf32, #tpu.memory_space<hbm>> -> memref<1x4096x128xf32, #tpu.memory_space<hbm>>
      %dma_wait3A_814 = tpu.memref_squeeze %dma_wait3A_813 : memref<1x4096x128xf32, #tpu.memory_space<hbm>> -> memref<4096x128xf32, #tpu.memory_space<hbm>>
      %dma_wait3A_815 = arith.constant 0 : i32
      %dma_wait3A_816 = tpu.memref_slice %dma_wait3A_814[%mul3A_2, %dma_wait3A_815] : memref<4096x128xf32, #tpu.memory_space<hbm>> -> memref<128x128xf32, #tpu.memory_space<hbm>>
      %dma_wait3A_817 = arith.constant 0 : i32
      %dma_wait3A_818 = arith.constant 0 : i32
      %dma_wait3A_819 = tpu.memref_slice %arg6[%dma_wait3A_800, %dma_wait3A_817, %dma_wait3A_818] : memref<7x128x128xf32, #tpu.memory_space<vmem>> -> memref<1x128x128xf32, #tpu.memory_space<vmem>>
      %dma_wait3A_820 = tpu.memref_squeeze %dma_wait3A_819 : memref<1x128x128xf32, #tpu.memory_space<vmem>> -> memref<128x128xf32, #tpu.memory_space<vmem>>
      tpu.wait_dma2 semaphore(%arg17 : memref<!tpu.dma_semaphore, #tpu.memory_space<semaphore_mem>>) src(%dma_wait3A_820 : memref<128x128xf32, #tpu.memory_space<vmem>>) dst(%dma_wait3A_816 : memref<128x128xf32, #tpu.memory_space<hbm>>)
      %add3A_821 = arith.constant 5 : i32
      %add3A_822 = arith.addi %add3A_765, %add3A_821 : i32
      %dma_start3A_823 = arith.constant 3 : i32
      %dma_start3A_824 = arith.constant 0 : i32
      %dma_start3A_825 = arith.constant 0 : i32
      %dma_start3A_826 = tpu.memref_slice %arg6[%dma_start3A_823, %dma_start3A_824, %dma_start3A_825] : memref<7x128x128xf32, #tpu.memory_space<vmem>> -> memref<1x128x128xf32, #tpu.memory_space<vmem>>
      %dma_start3A_827 = tpu.memref_squeeze %dma_start3A_826 : memref<1x128x128xf32, #tpu.memory_space<vmem>> -> memref<128x128xf32, #tpu.memory_space<vmem>>
      %dma_start3A_828 = arith.constant 0 : i32
      %dma_start3A_829 = tpu.memref_slice %arg5[%add3A_822, %dma_start3A_828] : memref<50x128xi32, #tpu.memory_space<vmem>> -> memref<1x128xi32, #tpu.memory_space<vmem>>
      %dma_start3A_830 = tpu.memref_squeeze %dma_start3A_829 : memref<1x128xi32, #tpu.memory_space<vmem>> -> memref<128xi32, #tpu.memory_space<vmem>>
      %dma_start3A_831 = arith.constant 0 : i32
      %dma_start3A_832 = arith.constant 0 : i32
      %dma_start3A_833 = tpu.memref_slice %arg3[%dma_start3A_831, %dma_start3A_832] : memref<100000x128xf32, #tpu.memory_space<hbm>> -> memref<100000x128xf32, #tpu.memory_space<hbm>>
      tpu.enqueue_indirect_dma source(%dma_start3A_833 : memref<100000x128xf32, #tpu.memory_space<hbm>>) target(%dma_start3A_827 : memref<128x128xf32, #tpu.memory_space<vmem>>) offsets(%dma_start3A_830 : memref<128xi32, #tpu.memory_space<vmem>>) semaphore(%arg10 : memref<!tpu.dma_semaphore, #tpu.memory_space<semaphore_mem>>)
      %add3A_834 = arith.constant 4 : i32
      %add3A_835 = arith.addi %add3A_554, %add3A_834 : i32
      %dma_wait3A_836 = arith.constant 6 : i32
      %dma_wait3A_837 = arith.constant 0 : i32
      %dma_wait3A_838 = arith.constant 0 : i32
      %dma_wait3A_839 = tpu.memref_slice %arg6[%dma_wait3A_836, %dma_wait3A_837, %dma_wait3A_838] : memref<7x128x128xf32, #tpu.memory_space<vmem>> -> memref<1x128x128xf32, #tpu.memory_space<vmem>>
      %dma_wait3A_840 = tpu.memref_squeeze %dma_wait3A_839 : memref<1x128x128xf32, #tpu.memory_space<vmem>> -> memref<128x128xf32, #tpu.memory_space<vmem>>
      %dma_wait3A_841 = arith.constant 0 : i32
      %dma_wait3A_842 = tpu.memref_slice %arg5[%add3A_835, %dma_wait3A_841] : memref<50x128xi32, #tpu.memory_space<vmem>> -> memref<1x128xi32, #tpu.memory_space<vmem>>
      %dma_wait3A_843 = tpu.memref_squeeze %dma_wait3A_842 : memref<1x128xi32, #tpu.memory_space<vmem>> -> memref<128xi32, #tpu.memory_space<vmem>>
      %dma_wait3A_844 = arith.constant 0 : i32
      %dma_wait3A_845 = arith.constant 0 : i32
      %dma_wait3A_846 = tpu.memref_slice %arg3[%dma_wait3A_844, %dma_wait3A_845] : memref<100000x128xf32, #tpu.memory_space<hbm>> -> memref<100000x128xf32, #tpu.memory_space<hbm>>
      tpu.wait_indirect_dma semaphore(%arg13 : memref<!tpu.dma_semaphore, #tpu.memory_space<semaphore_mem>>) src(%dma_wait3A_846 : memref<100000x128xf32, #tpu.memory_space<hbm>>) dst(%dma_wait3A_840 : memref<128x128xf32, #tpu.memory_space<vmem>>)
      %dma_start3A_847 = arith.constant 6 : i32
      %dma_start3A_848 = arith.constant 0 : i32
      %dma_start3A_849 = arith.constant 0 : i32
      %dma_start3A_850 = tpu.memref_slice %arg6[%dma_start3A_847, %dma_start3A_848, %dma_start3A_849] : memref<7x128x128xf32, #tpu.memory_space<vmem>> -> memref<1x128x128xf32, #tpu.memory_space<vmem>>
      %dma_start3A_851 = tpu.memref_squeeze %dma_start3A_850 : memref<1x128x128xf32, #tpu.memory_space<vmem>> -> memref<128x128xf32, #tpu.memory_space<vmem>>
      %dma_start3A_852 = arith.constant 0 : i32
      %dma_start3A_853 = arith.constant 0 : i32
      %dma_start3A_854 = tpu.memref_slice %arg4[%add3A_835, %dma_start3A_852, %dma_start3A_853] : memref<50x4096x128xf32, #tpu.memory_space<hbm>> -> memref<1x4096x128xf32, #tpu.memory_space<hbm>>
      %dma_start3A_855 = tpu.memref_squeeze %dma_start3A_854 : memref<1x4096x128xf32, #tpu.memory_space<hbm>> -> memref<4096x128xf32, #tpu.memory_space<hbm>>
      %dma_start3A_856 = arith.constant 0 : i32
      %dma_start3A_857 = tpu.memref_slice %dma_start3A_855[%mul3A_2, %dma_start3A_856] : memref<4096x128xf32, #tpu.memory_space<hbm>> -> memref<128x128xf32, #tpu.memory_space<hbm>>
      %dma_start3A_858 = arith.constant 0 : i32
      %dma_start3A_859 = arith.constant 0 : i32
      %dma_start3A_860 = tpu.memref_slice %arg4[%add3A_835, %dma_start3A_858, %dma_start3A_859] : memref<50x4096x128xf32, #tpu.memory_space<hbm>> -> memref<1x4096x128xf32, #tpu.memory_space<hbm>>
      %dma_start3A_861 = tpu.memref_squeeze %dma_start3A_860 : memref<1x4096x128xf32, #tpu.memory_space<hbm>> -> memref<4096x128xf32, #tpu.memory_space<hbm>>
      %dma_start3A_862 = arith.constant 0 : i32
      %dma_start3A_863 = tpu.memref_slice %dma_start3A_861[%mul3A_2, %dma_start3A_862] : memref<4096x128xf32, #tpu.memory_space<hbm>> -> memref<128x128xf32, #tpu.memory_space<hbm>>
      %dma_start3A_864 = arith.constant 0 : i32
      %dma_start3A_865 = arith.constant 0 : i32
      %dma_start3A_866 = tpu.memref_slice %arg6[%dma_start3A_847, %dma_start3A_864, %dma_start3A_865] : memref<7x128x128xf32, #tpu.memory_space<vmem>> -> memref<1x128x128xf32, #tpu.memory_space<vmem>>
      %dma_start3A_867 = tpu.memref_squeeze %dma_start3A_866 : memref<1x128x128xf32, #tpu.memory_space<vmem>> -> memref<128x128xf32, #tpu.memory_space<vmem>>
      tpu.enqueue_dma source(%dma_start3A_867 : memref<128x128xf32, #tpu.memory_space<vmem>>) target(%dma_start3A_863 : memref<128x128xf32, #tpu.memory_space<hbm>>) target_semaphore(%arg20 : memref<!tpu.dma_semaphore, #tpu.memory_space<semaphore_mem>>)
      %sub3A_868 = arith.constant 2 : i32
      %sub3A_869 = arith.subi %add3A_835, %sub3A_868 : i32
      %dma_wait3A_870 = arith.constant 4 : i32
      %dma_wait3A_871 = arith.constant 0 : i32
      %dma_wait3A_872 = arith.constant 0 : i32
      %dma_wait3A_873 = tpu.memref_slice %arg6[%dma_wait3A_870, %dma_wait3A_871, %dma_wait3A_872] : memref<7x128x128xf32, #tpu.memory_space<vmem>> -> memref<1x128x128xf32, #tpu.memory_space<vmem>>
      %dma_wait3A_874 = tpu.memref_squeeze %dma_wait3A_873 : memref<1x128x128xf32, #tpu.memory_space<vmem>> -> memref<128x128xf32, #tpu.memory_space<vmem>>
      %dma_wait3A_875 = arith.constant 0 : i32
      %dma_wait3A_876 = arith.constant 0 : i32
      %dma_wait3A_877 = tpu.memref_slice %arg4[%sub3A_869, %dma_wait3A_875, %dma_wait3A_876] : memref<50x4096x128xf32, #tpu.memory_space<hbm>> -> memref<1x4096x128xf32, #tpu.memory_space<hbm>>
      %dma_wait3A_878 = tpu.memref_squeeze %dma_wait3A_877 : memref<1x4096x128xf32, #tpu.memory_space<hbm>> -> memref<4096x128xf32, #tpu.memory_space<hbm>>
      %dma_wait3A_879 = arith.constant 0 : i32
      %dma_wait3A_880 = tpu.memref_slice %dma_wait3A_878[%mul3A_2, %dma_wait3A_879] : memref<4096x128xf32, #tpu.memory_space<hbm>> -> memref<128x128xf32, #tpu.memory_space<hbm>>
      %dma_wait3A_881 = arith.constant 0 : i32
      %dma_wait3A_882 = arith.constant 0 : i32
      %dma_wait3A_883 = tpu.memref_slice %arg4[%sub3A_869, %dma_wait3A_881, %dma_wait3A_882] : memref<50x4096x128xf32, #tpu.memory_space<hbm>> -> memref<1x4096x128xf32, #tpu.memory_space<hbm>>
      %dma_wait3A_884 = tpu.memref_squeeze %dma_wait3A_883 : memref<1x4096x128xf32, #tpu.memory_space<hbm>> -> memref<4096x128xf32, #tpu.memory_space<hbm>>
      %dma_wait3A_885 = arith.constant 0 : i32
      %dma_wait3A_886 = tpu.memref_slice %dma_wait3A_884[%mul3A_2, %dma_wait3A_885] : memref<4096x128xf32, #tpu.memory_space<hbm>> -> memref<128x128xf32, #tpu.memory_space<hbm>>
      %dma_wait3A_887 = arith.constant 0 : i32
      %dma_wait3A_888 = arith.constant 0 : i32
      %dma_wait3A_889 = tpu.memref_slice %arg6[%dma_wait3A_870, %dma_wait3A_887, %dma_wait3A_888] : memref<7x128x128xf32, #tpu.memory_space<vmem>> -> memref<1x128x128xf32, #tpu.memory_space<vmem>>
      %dma_wait3A_890 = tpu.memref_squeeze %dma_wait3A_889 : memref<1x128x128xf32, #tpu.memory_space<vmem>> -> memref<128x128xf32, #tpu.memory_space<vmem>>
      tpu.wait_dma2 semaphore(%arg18 : memref<!tpu.dma_semaphore, #tpu.memory_space<semaphore_mem>>) src(%dma_wait3A_890 : memref<128x128xf32, #tpu.memory_space<vmem>>) dst(%dma_wait3A_886 : memref<128x128xf32, #tpu.memory_space<hbm>>)
      %add3A_891 = arith.constant 5 : i32
      %add3A_892 = arith.addi %add3A_835, %add3A_891 : i32
      %dma_start3A_893 = arith.constant 4 : i32
      %dma_start3A_894 = arith.constant 0 : i32
      %dma_start3A_895 = arith.constant 0 : i32
      %dma_start3A_896 = tpu.memref_slice %arg6[%dma_start3A_893, %dma_start3A_894, %dma_start3A_895] : memref<7x128x128xf32, #tpu.memory_space<vmem>> -> memref<1x128x128xf32, #tpu.memory_space<vmem>>
      %dma_start3A_897 = tpu.memref_squeeze %dma_start3A_896 : memref<1x128x128xf32, #tpu.memory_space<vmem>> -> memref<128x128xf32, #tpu.memory_space<vmem>>
      %dma_start3A_898 = arith.constant 0 : i32
      %dma_start3A_899 = tpu.memref_slice %arg5[%add3A_892, %dma_start3A_898] : memref<50x128xi32, #tpu.memory_space<vmem>> -> memref<1x128xi32, #tpu.memory_space<vmem>>
      %dma_start3A_900 = tpu.memref_squeeze %dma_start3A_899 : memref<1x128xi32, #tpu.memory_space<vmem>> -> memref<128xi32, #tpu.memory_space<vmem>>
      %dma_start3A_901 = arith.constant 0 : i32
      %dma_start3A_902 = arith.constant 0 : i32
      %dma_start3A_903 = tpu.memref_slice %arg3[%dma_start3A_901, %dma_start3A_902] : memref<100000x128xf32, #tpu.memory_space<hbm>> -> memref<100000x128xf32, #tpu.memory_space<hbm>>
      tpu.enqueue_indirect_dma source(%dma_start3A_903 : memref<100000x128xf32, #tpu.memory_space<hbm>>) target(%dma_start3A_897 : memref<128x128xf32, #tpu.memory_space<vmem>>) offsets(%dma_start3A_900 : memref<128xi32, #tpu.memory_space<vmem>>) semaphore(%arg11 : memref<!tpu.dma_semaphore, #tpu.memory_space<semaphore_mem>>)
      %add3A_904 = arith.constant 5 : i32
      %add3A_905 = arith.addi %add3A_554, %add3A_904 : i32
      %dma_wait3A_906 = arith.constant 0 : i32
      %dma_wait3A_907 = arith.constant 0 : i32
      %dma_wait3A_908 = arith.constant 0 : i32
      %dma_wait3A_909 = tpu.memref_slice %arg6[%dma_wait3A_906, %dma_wait3A_907, %dma_wait3A_908] : memref<7x128x128xf32, #tpu.memory_space<vmem>> -> memref<1x128x128xf32, #tpu.memory_space<vmem>>
      %dma_wait3A_910 = tpu.memref_squeeze %dma_wait3A_909 : memref<1x128x128xf32, #tpu.memory_space<vmem>> -> memref<128x128xf32, #tpu.memory_space<vmem>>
      %dma_wait3A_911 = arith.constant 0 : i32
      %dma_wait3A_912 = tpu.memref_slice %arg5[%add3A_905, %dma_wait3A_911] : memref<50x128xi32, #tpu.memory_space<vmem>> -> memref<1x128xi32, #tpu.memory_space<vmem>>
      %dma_wait3A_913 = tpu.memref_squeeze %dma_wait3A_912 : memref<1x128xi32, #tpu.memory_space<vmem>> -> memref<128xi32, #tpu.memory_space<vmem>>
      %dma_wait3A_914 = arith.constant 0 : i32
      %dma_wait3A_915 = arith.constant 0 : i32
      %dma_wait3A_916 = tpu.memref_slice %arg3[%dma_wait3A_914, %dma_wait3A_915] : memref<100000x128xf32, #tpu.memory_space<hbm>> -> memref<100000x128xf32, #tpu.memory_space<hbm>>
      tpu.wait_indirect_dma semaphore(%arg7 : memref<!tpu.dma_semaphore, #tpu.memory_space<semaphore_mem>>) src(%dma_wait3A_916 : memref<100000x128xf32, #tpu.memory_space<hbm>>) dst(%dma_wait3A_910 : memref<128x128xf32, #tpu.memory_space<vmem>>)
      %dma_start3A_917 = arith.constant 0 : i32
      %dma_start3A_918 = arith.constant 0 : i32
      %dma_start3A_919 = arith.constant 0 : i32
      %dma_start3A_920 = tpu.memref_slice %arg6[%dma_start3A_917, %dma_start3A_918, %dma_start3A_919] : memref<7x128x128xf32, #tpu.memory_space<vmem>> -> memref<1x128x128xf32, #tpu.memory_space<vmem>>
      %dma_start3A_921 = tpu.memref_squeeze %dma_start3A_920 : memref<1x128x128xf32, #tpu.memory_space<vmem>> -> memref<128x128xf32, #tpu.memory_space<vmem>>
      %dma_start3A_922 = arith.constant 0 : i32
      %dma_start3A_923 = arith.constant 0 : i32
      %dma_start3A_924 = tpu.memref_slice %arg4[%add3A_905, %dma_start3A_922, %dma_start3A_923] : memref<50x4096x128xf32, #tpu.memory_space<hbm>> -> memref<1x4096x128xf32, #tpu.memory_space<hbm>>
      %dma_start3A_925 = tpu.memref_squeeze %dma_start3A_924 : memref<1x4096x128xf32, #tpu.memory_space<hbm>> -> memref<4096x128xf32, #tpu.memory_space<hbm>>
      %dma_start3A_926 = arith.constant 0 : i32
      %dma_start3A_927 = tpu.memref_slice %dma_start3A_925[%mul3A_2, %dma_start3A_926] : memref<4096x128xf32, #tpu.memory_space<hbm>> -> memref<128x128xf32, #tpu.memory_space<hbm>>
      %dma_start3A_928 = arith.constant 0 : i32
      %dma_start3A_929 = arith.constant 0 : i32
      %dma_start3A_930 = tpu.memref_slice %arg4[%add3A_905, %dma_start3A_928, %dma_start3A_929] : memref<50x4096x128xf32, #tpu.memory_space<hbm>> -> memref<1x4096x128xf32, #tpu.memory_space<hbm>>
      %dma_start3A_931 = tpu.memref_squeeze %dma_start3A_930 : memref<1x4096x128xf32, #tpu.memory_space<hbm>> -> memref<4096x128xf32, #tpu.memory_space<hbm>>
      %dma_start3A_932 = arith.constant 0 : i32
      %dma_start3A_933 = tpu.memref_slice %dma_start3A_931[%mul3A_2, %dma_start3A_932] : memref<4096x128xf32, #tpu.memory_space<hbm>> -> memref<128x128xf32, #tpu.memory_space<hbm>>
      %dma_start3A_934 = arith.constant 0 : i32
      %dma_start3A_935 = arith.constant 0 : i32
      %dma_start3A_936 = tpu.memref_slice %arg6[%dma_start3A_917, %dma_start3A_934, %dma_start3A_935] : memref<7x128x128xf32, #tpu.memory_space<vmem>> -> memref<1x128x128xf32, #tpu.memory_space<vmem>>
      %dma_start3A_937 = tpu.memref_squeeze %dma_start3A_936 : memref<1x128x128xf32, #tpu.memory_space<vmem>> -> memref<128x128xf32, #tpu.memory_space<vmem>>
      tpu.enqueue_dma source(%dma_start3A_937 : memref<128x128xf32, #tpu.memory_space<vmem>>) target(%dma_start3A_933 : memref<128x128xf32, #tpu.memory_space<hbm>>) target_semaphore(%arg14 : memref<!tpu.dma_semaphore, #tpu.memory_space<semaphore_mem>>)
      %sub3A_938 = arith.constant 2 : i32
      %sub3A_939 = arith.subi %add3A_905, %sub3A_938 : i32
      %dma_wait3A_940 = arith.constant 5 : i32
      %dma_wait3A_941 = arith.constant 0 : i32
      %dma_wait3A_942 = arith.constant 0 : i32
      %dma_wait3A_943 = tpu.memref_slice %arg6[%dma_wait3A_940, %dma_wait3A_941, %dma_wait3A_942] : memref<7x128x128xf32, #tpu.memory_space<vmem>> -> memref<1x128x128xf32, #tpu.memory_space<vmem>>
      %dma_wait3A_944 = tpu.memref_squeeze %dma_wait3A_943 : memref<1x128x128xf32, #tpu.memory_space<vmem>> -> memref<128x128xf32, #tpu.memory_space<vmem>>
      %dma_wait3A_945 = arith.constant 0 : i32
      %dma_wait3A_946 = arith.constant 0 : i32
      %dma_wait3A_947 = tpu.memref_slice %arg4[%sub3A_939, %dma_wait3A_945, %dma_wait3A_946] : memref<50x4096x128xf32, #tpu.memory_space<hbm>> -> memref<1x4096x128xf32, #tpu.memory_space<hbm>>
      %dma_wait3A_948 = tpu.memref_squeeze %dma_wait3A_947 : memref<1x4096x128xf32, #tpu.memory_space<hbm>> -> memref<4096x128xf32, #tpu.memory_space<hbm>>
      %dma_wait3A_949 = arith.constant 0 : i32
      %dma_wait3A_950 = tpu.memref_slice %dma_wait3A_948[%mul3A_2, %dma_wait3A_949] : memref<4096x128xf32, #tpu.memory_space<hbm>> -> memref<128x128xf32, #tpu.memory_space<hbm>>
      %dma_wait3A_951 = arith.constant 0 : i32
      %dma_wait3A_952 = arith.constant 0 : i32
      %dma_wait3A_953 = tpu.memref_slice %arg4[%sub3A_939, %dma_wait3A_951, %dma_wait3A_952] : memref<50x4096x128xf32, #tpu.memory_space<hbm>> -> memref<1x4096x128xf32, #tpu.memory_space<hbm>>
      %dma_wait3A_954 = tpu.memref_squeeze %dma_wait3A_953 : memref<1x4096x128xf32, #tpu.memory_space<hbm>> -> memref<4096x128xf32, #tpu.memory_space<hbm>>
      %dma_wait3A_955 = arith.constant 0 : i32
      %dma_wait3A_956 = tpu.memref_slice %dma_wait3A_954[%mul3A_2, %dma_wait3A_955] : memref<4096x128xf32, #tpu.memory_space<hbm>> -> memref<128x128xf32, #tpu.memory_space<hbm>>
      %dma_wait3A_957 = arith.constant 0 : i32
      %dma_wait3A_958 = arith.constant 0 : i32
      %dma_wait3A_959 = tpu.memref_slice %arg6[%dma_wait3A_940, %dma_wait3A_957, %dma_wait3A_958] : memref<7x128x128xf32, #tpu.memory_space<vmem>> -> memref<1x128x128xf32, #tpu.memory_space<vmem>>
      %dma_wait3A_960 = tpu.memref_squeeze %dma_wait3A_959 : memref<1x128x128xf32, #tpu.memory_space<vmem>> -> memref<128x128xf32, #tpu.memory_space<vmem>>
      tpu.wait_dma2 semaphore(%arg19 : memref<!tpu.dma_semaphore, #tpu.memory_space<semaphore_mem>>) src(%dma_wait3A_960 : memref<128x128xf32, #tpu.memory_space<vmem>>) dst(%dma_wait3A_956 : memref<128x128xf32, #tpu.memory_space<hbm>>)
      %add3A_961 = arith.constant 5 : i32
      %add3A_962 = arith.addi %add3A_905, %add3A_961 : i32
      %dma_start3A_963 = arith.constant 5 : i32
      %dma_start3A_964 = arith.constant 0 : i32
      %dma_start3A_965 = arith.constant 0 : i32
      %dma_start3A_966 = tpu.memref_slice %arg6[%dma_start3A_963, %dma_start3A_964, %dma_start3A_965] : memref<7x128x128xf32, #tpu.memory_space<vmem>> -> memref<1x128x128xf32, #tpu.memory_space<vmem>>
      %dma_start3A_967 = tpu.memref_squeeze %dma_start3A_966 : memref<1x128x128xf32, #tpu.memory_space<vmem>> -> memref<128x128xf32, #tpu.memory_space<vmem>>
      %dma_start3A_968 = arith.constant 0 : i32
      %dma_start3A_969 = tpu.memref_slice %arg5[%add3A_962, %dma_start3A_968] : memref<50x128xi32, #tpu.memory_space<vmem>> -> memref<1x128xi32, #tpu.memory_space<vmem>>
      %dma_start3A_970 = tpu.memref_squeeze %dma_start3A_969 : memref<1x128xi32, #tpu.memory_space<vmem>> -> memref<128xi32, #tpu.memory_space<vmem>>
      %dma_start3A_971 = arith.constant 0 : i32
      %dma_start3A_972 = arith.constant 0 : i32
      %dma_start3A_973 = tpu.memref_slice %arg3[%dma_start3A_971, %dma_start3A_972] : memref<100000x128xf32, #tpu.memory_space<hbm>> -> memref<100000x128xf32, #tpu.memory_space<hbm>>
      tpu.enqueue_indirect_dma source(%dma_start3A_973 : memref<100000x128xf32, #tpu.memory_space<hbm>>) target(%dma_start3A_967 : memref<128x128xf32, #tpu.memory_space<vmem>>) offsets(%dma_start3A_970 : memref<128xi32, #tpu.memory_space<vmem>>) semaphore(%arg12 : memref<!tpu.dma_semaphore, #tpu.memory_space<semaphore_mem>>)
      %add3A_974 = arith.constant 6 : i32
      %add3A_975 = arith.addi %add3A_554, %add3A_974 : i32
      %dma_wait3A_976 = arith.constant 1 : i32
      %dma_wait3A_977 = arith.constant 0 : i32
      %dma_wait3A_978 = arith.constant 0 : i32
      %dma_wait3A_979 = tpu.memref_slice %arg6[%dma_wait3A_976, %dma_wait3A_977, %dma_wait3A_978] : memref<7x128x128xf32, #tpu.memory_space<vmem>> -> memref<1x128x128xf32, #tpu.memory_space<vmem>>
      %dma_wait3A_980 = tpu.memref_squeeze %dma_wait3A_979 : memref<1x128x128xf32, #tpu.memory_space<vmem>> -> memref<128x128xf32, #tpu.memory_space<vmem>>
      %dma_wait3A_981 = arith.constant 0 : i32
      %dma_wait3A_982 = tpu.memref_slice %arg5[%add3A_975, %dma_wait3A_981] : memref<50x128xi32, #tpu.memory_space<vmem>> -> memref<1x128xi32, #tpu.memory_space<vmem>>
      %dma_wait3A_983 = tpu.memref_squeeze %dma_wait3A_982 : memref<1x128xi32, #tpu.memory_space<vmem>> -> memref<128xi32, #tpu.memory_space<vmem>>
      %dma_wait3A_984 = arith.constant 0 : i32
      %dma_wait3A_985 = arith.constant 0 : i32
      %dma_wait3A_986 = tpu.memref_slice %arg3[%dma_wait3A_984, %dma_wait3A_985] : memref<100000x128xf32, #tpu.memory_space<hbm>> -> memref<100000x128xf32, #tpu.memory_space<hbm>>
      tpu.wait_indirect_dma semaphore(%arg8 : memref<!tpu.dma_semaphore, #tpu.memory_space<semaphore_mem>>) src(%dma_wait3A_986 : memref<100000x128xf32, #tpu.memory_space<hbm>>) dst(%dma_wait3A_980 : memref<128x128xf32, #tpu.memory_space<vmem>>)
      %dma_start3A_987 = arith.constant 1 : i32
      %dma_start3A_988 = arith.constant 0 : i32
      %dma_start3A_989 = arith.constant 0 : i32
      %dma_start3A_990 = tpu.memref_slice %arg6[%dma_start3A_987, %dma_start3A_988, %dma_start3A_989] : memref<7x128x128xf32, #tpu.memory_space<vmem>> -> memref<1x128x128xf32, #tpu.memory_space<vmem>>
      %dma_start3A_991 = tpu.memref_squeeze %dma_start3A_990 : memref<1x128x128xf32, #tpu.memory_space<vmem>> -> memref<128x128xf32, #tpu.memory_space<vmem>>
      %dma_start3A_992 = arith.constant 0 : i32
      %dma_start3A_993 = arith.constant 0 : i32
      %dma_start3A_994 = tpu.memref_slice %arg4[%add3A_975, %dma_start3A_992, %dma_start3A_993] : memref<50x4096x128xf32, #tpu.memory_space<hbm>> -> memref<1x4096x128xf32, #tpu.memory_space<hbm>>
      %dma_start3A_995 = tpu.memref_squeeze %dma_start3A_994 : memref<1x4096x128xf32, #tpu.memory_space<hbm>> -> memref<4096x128xf32, #tpu.memory_space<hbm>>
      %dma_start3A_996 = arith.constant 0 : i32
      %dma_start3A_997 = tpu.memref_slice %dma_start3A_995[%mul3A_2, %dma_start3A_996] : memref<4096x128xf32, #tpu.memory_space<hbm>> -> memref<128x128xf32, #tpu.memory_space<hbm>>
      %dma_start3A_998 = arith.constant 0 : i32
      %dma_start3A_999 = arith.constant 0 : i32
      %dma_start3A_1000 = tpu.memref_slice %arg4[%add3A_975, %dma_start3A_998, %dma_start3A_999] : memref<50x4096x128xf32, #tpu.memory_space<hbm>> -> memref<1x4096x128xf32, #tpu.memory_space<hbm>>
      %dma_start3A_1001 = tpu.memref_squeeze %dma_start3A_1000 : memref<1x4096x128xf32, #tpu.memory_space<hbm>> -> memref<4096x128xf32, #tpu.memory_space<hbm>>
      %dma_start3A_1002 = arith.constant 0 : i32
      %dma_start3A_1003 = tpu.memref_slice %dma_start3A_1001[%mul3A_2, %dma_start3A_1002] : memref<4096x128xf32, #tpu.memory_space<hbm>> -> memref<128x128xf32, #tpu.memory_space<hbm>>
      %dma_start3A_1004 = arith.constant 0 : i32
      %dma_start3A_1005 = arith.constant 0 : i32
      %dma_start3A_1006 = tpu.memref_slice %arg6[%dma_start3A_987, %dma_start3A_1004, %dma_start3A_1005] : memref<7x128x128xf32, #tpu.memory_space<vmem>> -> memref<1x128x128xf32, #tpu.memory_space<vmem>>
      %dma_start3A_1007 = tpu.memref_squeeze %dma_start3A_1006 : memref<1x128x128xf32, #tpu.memory_space<vmem>> -> memref<128x128xf32, #tpu.memory_space<vmem>>
      tpu.enqueue_dma source(%dma_start3A_1007 : memref<128x128xf32, #tpu.memory_space<vmem>>) target(%dma_start3A_1003 : memref<128x128xf32, #tpu.memory_space<hbm>>) target_semaphore(%arg15 : memref<!tpu.dma_semaphore, #tpu.memory_space<semaphore_mem>>)
      %sub3A_1008 = arith.constant 2 : i32
      %sub3A_1009 = arith.subi %add3A_975, %sub3A_1008 : i32
      %dma_wait3A_1010 = arith.constant 6 : i32
      %dma_wait3A_1011 = arith.constant 0 : i32
      %dma_wait3A_1012 = arith.constant 0 : i32
      %dma_wait3A_1013 = tpu.memref_slice %arg6[%dma_wait3A_1010, %dma_wait3A_1011, %dma_wait3A_1012] : memref<7x128x128xf32, #tpu.memory_space<vmem>> -> memref<1x128x128xf32, #tpu.memory_space<vmem>>
      %dma_wait3A_1014 = tpu.memref_squeeze %dma_wait3A_1013 : memref<1x128x128xf32, #tpu.memory_space<vmem>> -> memref<128x128xf32, #tpu.memory_space<vmem>>
      %dma_wait3A_1015 = arith.constant 0 : i32
      %dma_wait3A_1016 = arith.constant 0 : i32
      %dma_wait3A_1017 = tpu.memref_slice %arg4[%sub3A_1009, %dma_wait3A_1015, %dma_wait3A_1016] : memref<50x4096x128xf32, #tpu.memory_space<hbm>> -> memref<1x4096x128xf32, #tpu.memory_space<hbm>>
      %dma_wait3A_1018 = tpu.memref_squeeze %dma_wait3A_1017 : memref<1x4096x128xf32, #tpu.memory_space<hbm>> -> memref<4096x128xf32, #tpu.memory_space<hbm>>
      %dma_wait3A_1019 = arith.constant 0 : i32
      %dma_wait3A_1020 = tpu.memref_slice %dma_wait3A_1018[%mul3A_2, %dma_wait3A_1019] : memref<4096x128xf32, #tpu.memory_space<hbm>> -> memref<128x128xf32, #tpu.memory_space<hbm>>
      %dma_wait3A_1021 = arith.constant 0 : i32
      %dma_wait3A_1022 = arith.constant 0 : i32
      %dma_wait3A_1023 = tpu.memref_slice %arg4[%sub3A_1009, %dma_wait3A_1021, %dma_wait3A_1022] : memref<50x4096x128xf32, #tpu.memory_space<hbm>> -> memref<1x4096x128xf32, #tpu.memory_space<hbm>>
      %dma_wait3A_1024 = tpu.memref_squeeze %dma_wait3A_1023 : memref<1x4096x128xf32, #tpu.memory_space<hbm>> -> memref<4096x128xf32, #tpu.memory_space<hbm>>
      %dma_wait3A_1025 = arith.constant 0 : i32
      %dma_wait3A_1026 = tpu.memref_slice %dma_wait3A_1024[%mul3A_2, %dma_wait3A_1025] : memref<4096x128xf32, #tpu.memory_space<hbm>> -> memref<128x128xf32, #tpu.memory_space<hbm>>
      %dma_wait3A_1027 = arith.constant 0 : i32
      %dma_wait3A_1028 = arith.constant 0 : i32
      %dma_wait3A_1029 = tpu.memref_slice %arg6[%dma_wait3A_1010, %dma_wait3A_1027, %dma_wait3A_1028] : memref<7x128x128xf32, #tpu.memory_space<vmem>> -> memref<1x128x128xf32, #tpu.memory_space<vmem>>
      %dma_wait3A_1030 = tpu.memref_squeeze %dma_wait3A_1029 : memref<1x128x128xf32, #tpu.memory_space<vmem>> -> memref<128x128xf32, #tpu.memory_space<vmem>>
      tpu.wait_dma2 semaphore(%arg20 : memref<!tpu.dma_semaphore, #tpu.memory_space<semaphore_mem>>) src(%dma_wait3A_1030 : memref<128x128xf32, #tpu.memory_space<vmem>>) dst(%dma_wait3A_1026 : memref<128x128xf32, #tpu.memory_space<hbm>>)
      %add3A_1031 = arith.constant 5 : i32
      %add3A_1032 = arith.addi %add3A_975, %add3A_1031 : i32
      %dma_start3A_1033 = arith.constant 6 : i32
      %dma_start3A_1034 = arith.constant 0 : i32
      %dma_start3A_1035 = arith.constant 0 : i32
      %dma_start3A_1036 = tpu.memref_slice %arg6[%dma_start3A_1033, %dma_start3A_1034, %dma_start3A_1035] : memref<7x128x128xf32, #tpu.memory_space<vmem>> -> memref<1x128x128xf32, #tpu.memory_space<vmem>>
      %dma_start3A_1037 = tpu.memref_squeeze %dma_start3A_1036 : memref<1x128x128xf32, #tpu.memory_space<vmem>> -> memref<128x128xf32, #tpu.memory_space<vmem>>
      %dma_start3A_1038 = arith.constant 0 : i32
      %dma_start3A_1039 = tpu.memref_slice %arg5[%add3A_1032, %dma_start3A_1038] : memref<50x128xi32, #tpu.memory_space<vmem>> -> memref<1x128xi32, #tpu.memory_space<vmem>>
      %dma_start3A_1040 = tpu.memref_squeeze %dma_start3A_1039 : memref<1x128xi32, #tpu.memory_space<vmem>> -> memref<128xi32, #tpu.memory_space<vmem>>
      %dma_start3A_1041 = arith.constant 0 : i32
      %dma_start3A_1042 = arith.constant 0 : i32
      %dma_start3A_1043 = tpu.memref_slice %arg3[%dma_start3A_1041, %dma_start3A_1042] : memref<100000x128xf32, #tpu.memory_space<hbm>> -> memref<100000x128xf32, #tpu.memory_space<hbm>>
      tpu.enqueue_indirect_dma source(%dma_start3A_1043 : memref<100000x128xf32, #tpu.memory_space<hbm>>) target(%dma_start3A_1037 : memref<128x128xf32, #tpu.memory_space<vmem>>) offsets(%dma_start3A_1040 : memref<128xi32, #tpu.memory_space<vmem>>) semaphore(%arg13 : memref<!tpu.dma_semaphore, #tpu.memory_space<semaphore_mem>>)
    }
    %scan3A_157 = arith.constant 6 : i32
    %dma_wait3A_158 = arith.constant 44 : i32
    %dma_wait3A_159 = arith.constant 2 : i32
    %dma_wait3A_160 = arith.constant 0 : i32
    %dma_wait3A_161 = arith.constant 0 : i32
    %dma_wait3A_162 = tpu.memref_slice %arg6[%dma_wait3A_159, %dma_wait3A_160, %dma_wait3A_161] : memref<7x128x128xf32, #tpu.memory_space<vmem>> -> memref<1x128x128xf32, #tpu.memory_space<vmem>>
    %dma_wait3A_163 = tpu.memref_squeeze %dma_wait3A_162 : memref<1x128x128xf32, #tpu.memory_space<vmem>> -> memref<128x128xf32, #tpu.memory_space<vmem>>
    %dma_wait3A_164 = arith.constant 0 : i32
    %dma_wait3A_165 = tpu.memref_slice %arg5[%dma_wait3A_158, %dma_wait3A_164] : memref<50x128xi32, #tpu.memory_space<vmem>> -> memref<1x128xi32, #tpu.memory_space<vmem>>
    %dma_wait3A_166 = tpu.memref_squeeze %dma_wait3A_165 : memref<1x128xi32, #tpu.memory_space<vmem>> -> memref<128xi32, #tpu.memory_space<vmem>>
    %dma_wait3A_167 = arith.constant 0 : i32
    %dma_wait3A_168 = arith.constant 0 : i32
    %dma_wait3A_169 = tpu.memref_slice %arg3[%dma_wait3A_167, %dma_wait3A_168] : memref<100000x128xf32, #tpu.memory_space<hbm>> -> memref<100000x128xf32, #tpu.memory_space<hbm>>
    tpu.wait_indirect_dma semaphore(%arg9 : memref<!tpu.dma_semaphore, #tpu.memory_space<semaphore_mem>>) src(%dma_wait3A_169 : memref<100000x128xf32, #tpu.memory_space<hbm>>) dst(%dma_wait3A_163 : memref<128x128xf32, #tpu.memory_space<vmem>>)
    %dma_start3A_170 = arith.constant 2 : i32
    %dma_start3A_171 = arith.constant 44 : i32
    %dma_start3A_172 = arith.constant 0 : i32
    %dma_start3A_173 = arith.constant 0 : i32
    %dma_start3A_174 = tpu.memref_slice %arg6[%dma_start3A_170, %dma_start3A_172, %dma_start3A_173] : memref<7x128x128xf32, #tpu.memory_space<vmem>> -> memref<1x128x128xf32, #tpu.memory_space<vmem>>
    %dma_start3A_175 = tpu.memref_squeeze %dma_start3A_174 : memref<1x128x128xf32, #tpu.memory_space<vmem>> -> memref<128x128xf32, #tpu.memory_space<vmem>>
    %dma_start3A_176 = arith.constant 0 : i32
    %dma_start3A_177 = arith.constant 0 : i32
    %dma_start3A_178 = tpu.memref_slice %arg4[%dma_start3A_171, %dma_start3A_176, %dma_start3A_177] : memref<50x4096x128xf32, #tpu.memory_space<hbm>> -> memref<1x4096x128xf32, #tpu.memory_space<hbm>>
    %dma_start3A_179 = tpu.memref_squeeze %dma_start3A_178 : memref<1x4096x128xf32, #tpu.memory_space<hbm>> -> memref<4096x128xf32, #tpu.memory_space<hbm>>
    %dma_start3A_180 = arith.constant 0 : i32
    %dma_start3A_181 = tpu.memref_slice %dma_start3A_179[%mul3A_2, %dma_start3A_180] : memref<4096x128xf32, #tpu.memory_space<hbm>> -> memref<128x128xf32, #tpu.memory_space<hbm>>
    %dma_start3A_182 = arith.constant 0 : i32
    %dma_start3A_183 = arith.constant 0 : i32
    %dma_start3A_184 = tpu.memref_slice %arg4[%dma_start3A_171, %dma_start3A_182, %dma_start3A_183] : memref<50x4096x128xf32, #tpu.memory_space<hbm>> -> memref<1x4096x128xf32, #tpu.memory_space<hbm>>
    %dma_start3A_185 = tpu.memref_squeeze %dma_start3A_184 : memref<1x4096x128xf32, #tpu.memory_space<hbm>> -> memref<4096x128xf32, #tpu.memory_space<hbm>>
    %dma_start3A_186 = arith.constant 0 : i32
    %dma_start3A_187 = tpu.memref_slice %dma_start3A_185[%mul3A_2, %dma_start3A_186] : memref<4096x128xf32, #tpu.memory_space<hbm>> -> memref<128x128xf32, #tpu.memory_space<hbm>>
    %dma_start3A_188 = arith.constant 0 : i32
    %dma_start3A_189 = arith.constant 0 : i32
    %dma_start3A_190 = tpu.memref_slice %arg6[%dma_start3A_170, %dma_start3A_188, %dma_start3A_189] : memref<7x128x128xf32, #tpu.memory_space<vmem>> -> memref<1x128x128xf32, #tpu.memory_space<vmem>>
    %dma_start3A_191 = tpu.memref_squeeze %dma_start3A_190 : memref<1x128x128xf32, #tpu.memory_space<vmem>> -> memref<128x128xf32, #tpu.memory_space<vmem>>
    tpu.enqueue_dma source(%dma_start3A_191 : memref<128x128xf32, #tpu.memory_space<vmem>>) target(%dma_start3A_187 : memref<128x128xf32, #tpu.memory_space<hbm>>) target_semaphore(%arg16 : memref<!tpu.dma_semaphore, #tpu.memory_space<semaphore_mem>>)
    %dma_wait3A_192 = arith.constant 0 : i32
    %dma_wait3A_193 = arith.constant 42 : i32
    %dma_wait3A_194 = arith.constant 0 : i32
    %dma_wait3A_195 = arith.constant 0 : i32
    %dma_wait3A_196 = tpu.memref_slice %arg6[%dma_wait3A_192, %dma_wait3A_194, %dma_wait3A_195] : memref<7x128x128xf32, #tpu.memory_space<vmem>> -> memref<1x128x128xf32, #tpu.memory_space<vmem>>
    %dma_wait3A_197 = tpu.memref_squeeze %dma_wait3A_196 : memref<1x128x128xf32, #tpu.memory_space<vmem>> -> memref<128x128xf32, #tpu.memory_space<vmem>>
    %dma_wait3A_198 = arith.constant 0 : i32
    %dma_wait3A_199 = arith.constant 0 : i32
    %dma_wait3A_200 = tpu.memref_slice %arg4[%dma_wait3A_193, %dma_wait3A_198, %dma_wait3A_199] : memref<50x4096x128xf32, #tpu.memory_space<hbm>> -> memref<1x4096x128xf32, #tpu.memory_space<hbm>>
    %dma_wait3A_201 = tpu.memref_squeeze %dma_wait3A_200 : memref<1x4096x128xf32, #tpu.memory_space<hbm>> -> memref<4096x128xf32, #tpu.memory_space<hbm>>
    %dma_wait3A_202 = arith.constant 0 : i32
    %dma_wait3A_203 = tpu.memref_slice %dma_wait3A_201[%mul3A_2, %dma_wait3A_202] : memref<4096x128xf32, #tpu.memory_space<hbm>> -> memref<128x128xf32, #tpu.memory_space<hbm>>
    %dma_wait3A_204 = arith.constant 0 : i32
    %dma_wait3A_205 = arith.constant 0 : i32
    %dma_wait3A_206 = tpu.memref_slice %arg4[%dma_wait3A_193, %dma_wait3A_204, %dma_wait3A_205] : memref<50x4096x128xf32, #tpu.memory_space<hbm>> -> memref<1x4096x128xf32, #tpu.memory_space<hbm>>
    %dma_wait3A_207 = tpu.memref_squeeze %dma_wait3A_206 : memref<1x4096x128xf32, #tpu.memory_space<hbm>> -> memref<4096x128xf32, #tpu.memory_space<hbm>>
    %dma_wait3A_208 = arith.constant 0 : i32
    %dma_wait3A_209 = tpu.memref_slice %dma_wait3A_207[%mul3A_2, %dma_wait3A_208] : memref<4096x128xf32, #tpu.memory_space<hbm>> -> memref<128x128xf32, #tpu.memory_space<hbm>>
    %dma_wait3A_210 = arith.constant 0 : i32
    %dma_wait3A_211 = arith.constant 0 : i32
    %dma_wait3A_212 = tpu.memref_slice %arg6[%dma_wait3A_192, %dma_wait3A_210, %dma_wait3A_211] : memref<7x128x128xf32, #tpu.memory_space<vmem>> -> memref<1x128x128xf32, #tpu.memory_space<vmem>>
    %dma_wait3A_213 = tpu.memref_squeeze %dma_wait3A_212 : memref<1x128x128xf32, #tpu.memory_space<vmem>> -> memref<128x128xf32, #tpu.memory_space<vmem>>
    tpu.wait_dma2 semaphore(%arg14 : memref<!tpu.dma_semaphore, #tpu.memory_space<semaphore_mem>>) src(%dma_wait3A_213 : memref<128x128xf32, #tpu.memory_space<vmem>>) dst(%dma_wait3A_209 : memref<128x128xf32, #tpu.memory_space<hbm>>)
    %dma_start3A_214 = arith.constant 49 : i32
    %dma_start3A_215 = arith.constant 0 : i32
    %dma_start3A_216 = arith.constant 0 : i32
    %dma_start3A_217 = arith.constant 0 : i32
    %dma_start3A_218 = tpu.memref_slice %arg6[%dma_start3A_215, %dma_start3A_216, %dma_start3A_217] : memref<7x128x128xf32, #tpu.memory_space<vmem>> -> memref<1x128x128xf32, #tpu.memory_space<vmem>>
    %dma_start3A_219 = tpu.memref_squeeze %dma_start3A_218 : memref<1x128x128xf32, #tpu.memory_space<vmem>> -> memref<128x128xf32, #tpu.memory_space<vmem>>
    %dma_start3A_220 = arith.constant 0 : i32
    %dma_start3A_221 = tpu.memref_slice %arg5[%dma_start3A_214, %dma_start3A_220] : memref<50x128xi32, #tpu.memory_space<vmem>> -> memref<1x128xi32, #tpu.memory_space<vmem>>
    %dma_start3A_222 = tpu.memref_squeeze %dma_start3A_221 : memref<1x128xi32, #tpu.memory_space<vmem>> -> memref<128xi32, #tpu.memory_space<vmem>>
    %dma_start3A_223 = arith.constant 0 : i32
    %dma_start3A_224 = arith.constant 0 : i32
    %dma_start3A_225 = tpu.memref_slice %arg3[%dma_start3A_223, %dma_start3A_224] : memref<100000x128xf32, #tpu.memory_space<hbm>> -> memref<100000x128xf32, #tpu.memory_space<hbm>>
    tpu.enqueue_indirect_dma source(%dma_start3A_225 : memref<100000x128xf32, #tpu.memory_space<hbm>>) target(%dma_start3A_219 : memref<128x128xf32, #tpu.memory_space<vmem>>) offsets(%dma_start3A_222 : memref<128xi32, #tpu.memory_space<vmem>>) semaphore(%arg7 : memref<!tpu.dma_semaphore, #tpu.memory_space<semaphore_mem>>)
    %dma_wait3A_226 = arith.constant 45 : i32
    %dma_wait3A_227 = arith.constant 3 : i32
    %dma_wait3A_228 = arith.constant 0 : i32
    %dma_wait3A_229 = arith.constant 0 : i32
    %dma_wait3A_230 = tpu.memref_slice %arg6[%dma_wait3A_227, %dma_wait3A_228, %dma_wait3A_229] : memref<7x128x128xf32, #tpu.memory_space<vmem>> -> memref<1x128x128xf32, #tpu.memory_space<vmem>>
    %dma_wait3A_231 = tpu.memref_squeeze %dma_wait3A_230 : memref<1x128x128xf32, #tpu.memory_space<vmem>> -> memref<128x128xf32, #tpu.memory_space<vmem>>
    %dma_wait3A_232 = arith.constant 0 : i32
    %dma_wait3A_233 = tpu.memref_slice %arg5[%dma_wait3A_226, %dma_wait3A_232] : memref<50x128xi32, #tpu.memory_space<vmem>> -> memref<1x128xi32, #tpu.memory_space<vmem>>
    %dma_wait3A_234 = tpu.memref_squeeze %dma_wait3A_233 : memref<1x128xi32, #tpu.memory_space<vmem>> -> memref<128xi32, #tpu.memory_space<vmem>>
    %dma_wait3A_235 = arith.constant 0 : i32
    %dma_wait3A_236 = arith.constant 0 : i32
    %dma_wait3A_237 = tpu.memref_slice %arg3[%dma_wait3A_235, %dma_wait3A_236] : memref<100000x128xf32, #tpu.memory_space<hbm>> -> memref<100000x128xf32, #tpu.memory_space<hbm>>
    tpu.wait_indirect_dma semaphore(%arg10 : memref<!tpu.dma_semaphore, #tpu.memory_space<semaphore_mem>>) src(%dma_wait3A_237 : memref<100000x128xf32, #tpu.memory_space<hbm>>) dst(%dma_wait3A_231 : memref<128x128xf32, #tpu.memory_space<vmem>>)
    %dma_start3A_238 = arith.constant 3 : i32
    %dma_start3A_239 = arith.constant 45 : i32
    %dma_start3A_240 = arith.constant 0 : i32
    %dma_start3A_241 = arith.constant 0 : i32
    %dma_start3A_242 = tpu.memref_slice %arg6[%dma_start3A_238, %dma_start3A_240, %dma_start3A_241] : memref<7x128x128xf32, #tpu.memory_space<vmem>> -> memref<1x128x128xf32, #tpu.memory_space<vmem>>
    %dma_start3A_243 = tpu.memref_squeeze %dma_start3A_242 : memref<1x128x128xf32, #tpu.memory_space<vmem>> -> memref<128x128xf32, #tpu.memory_space<vmem>>
    %dma_start3A_244 = arith.constant 0 : i32
    %dma_start3A_245 = arith.constant 0 : i32
    %dma_start3A_246 = tpu.memref_slice %arg4[%dma_start3A_239, %dma_start3A_244, %dma_start3A_245] : memref<50x4096x128xf32, #tpu.memory_space<hbm>> -> memref<1x4096x128xf32, #tpu.memory_space<hbm>>
    %dma_start3A_247 = tpu.memref_squeeze %dma_start3A_246 : memref<1x4096x128xf32, #tpu.memory_space<hbm>> -> memref<4096x128xf32, #tpu.memory_space<hbm>>
    %dma_start3A_248 = arith.constant 0 : i32
    %dma_start3A_249 = tpu.memref_slice %dma_start3A_247[%mul3A_2, %dma_start3A_248] : memref<4096x128xf32, #tpu.memory_space<hbm>> -> memref<128x128xf32, #tpu.memory_space<hbm>>
    %dma_start3A_250 = arith.constant 0 : i32
    %dma_start3A_251 = arith.constant 0 : i32
    %dma_start3A_252 = tpu.memref_slice %arg4[%dma_start3A_239, %dma_start3A_250, %dma_start3A_251] : memref<50x4096x128xf32, #tpu.memory_space<hbm>> -> memref<1x4096x128xf32, #tpu.memory_space<hbm>>
    %dma_start3A_253 = tpu.memref_squeeze %dma_start3A_252 : memref<1x4096x128xf32, #tpu.memory_space<hbm>> -> memref<4096x128xf32, #tpu.memory_space<hbm>>
    %dma_start3A_254 = arith.constant 0 : i32
    %dma_start3A_255 = tpu.memref_slice %dma_start3A_253[%mul3A_2, %dma_start3A_254] : memref<4096x128xf32, #tpu.memory_space<hbm>> -> memref<128x128xf32, #tpu.memory_space<hbm>>
    %dma_start3A_256 = arith.constant 0 : i32
    %dma_start3A_257 = arith.constant 0 : i32
    %dma_start3A_258 = tpu.memref_slice %arg6[%dma_start3A_238, %dma_start3A_256, %dma_start3A_257] : memref<7x128x128xf32, #tpu.memory_space<vmem>> -> memref<1x128x128xf32, #tpu.memory_space<vmem>>
    %dma_start3A_259 = tpu.memref_squeeze %dma_start3A_258 : memref<1x128x128xf32, #tpu.memory_space<vmem>> -> memref<128x128xf32, #tpu.memory_space<vmem>>
    tpu.enqueue_dma source(%dma_start3A_259 : memref<128x128xf32, #tpu.memory_space<vmem>>) target(%dma_start3A_255 : memref<128x128xf32, #tpu.memory_space<hbm>>) target_semaphore(%arg17 : memref<!tpu.dma_semaphore, #tpu.memory_space<semaphore_mem>>)
    %dma_wait3A_260 = arith.constant 1 : i32
    %dma_wait3A_261 = arith.constant 43 : i32
    %dma_wait3A_262 = arith.constant 0 : i32
    %dma_wait3A_263 = arith.constant 0 : i32
    %dma_wait3A_264 = tpu.memref_slice %arg6[%dma_wait3A_260, %dma_wait3A_262, %dma_wait3A_263] : memref<7x128x128xf32, #tpu.memory_space<vmem>> -> memref<1x128x128xf32, #tpu.memory_space<vmem>>
    %dma_wait3A_265 = tpu.memref_squeeze %dma_wait3A_264 : memref<1x128x128xf32, #tpu.memory_space<vmem>> -> memref<128x128xf32, #tpu.memory_space<vmem>>
    %dma_wait3A_266 = arith.constant 0 : i32
    %dma_wait3A_267 = arith.constant 0 : i32
    %dma_wait3A_268 = tpu.memref_slice %arg4[%dma_wait3A_261, %dma_wait3A_266, %dma_wait3A_267] : memref<50x4096x128xf32, #tpu.memory_space<hbm>> -> memref<1x4096x128xf32, #tpu.memory_space<hbm>>
    %dma_wait3A_269 = tpu.memref_squeeze %dma_wait3A_268 : memref<1x4096x128xf32, #tpu.memory_space<hbm>> -> memref<4096x128xf32, #tpu.memory_space<hbm>>
    %dma_wait3A_270 = arith.constant 0 : i32
    %dma_wait3A_271 = tpu.memref_slice %dma_wait3A_269[%mul3A_2, %dma_wait3A_270] : memref<4096x128xf32, #tpu.memory_space<hbm>> -> memref<128x128xf32, #tpu.memory_space<hbm>>
    %dma_wait3A_272 = arith.constant 0 : i32
    %dma_wait3A_273 = arith.constant 0 : i32
    %dma_wait3A_274 = tpu.memref_slice %arg4[%dma_wait3A_261, %dma_wait3A_272, %dma_wait3A_273] : memref<50x4096x128xf32, #tpu.memory_space<hbm>> -> memref<1x4096x128xf32, #tpu.memory_space<hbm>>
    %dma_wait3A_275 = tpu.memref_squeeze %dma_wait3A_274 : memref<1x4096x128xf32, #tpu.memory_space<hbm>> -> memref<4096x128xf32, #tpu.memory_space<hbm>>
    %dma_wait3A_276 = arith.constant 0 : i32
    %dma_wait3A_277 = tpu.memref_slice %dma_wait3A_275[%mul3A_2, %dma_wait3A_276] : memref<4096x128xf32, #tpu.memory_space<hbm>> -> memref<128x128xf32, #tpu.memory_space<hbm>>
    %dma_wait3A_278 = arith.constant 0 : i32
    %dma_wait3A_279 = arith.constant 0 : i32
    %dma_wait3A_280 = tpu.memref_slice %arg6[%dma_wait3A_260, %dma_wait3A_278, %dma_wait3A_279] : memref<7x128x128xf32, #tpu.memory_space<vmem>> -> memref<1x128x128xf32, #tpu.memory_space<vmem>>
    %dma_wait3A_281 = tpu.memref_squeeze %dma_wait3A_280 : memref<1x128x128xf32, #tpu.memory_space<vmem>> -> memref<128x128xf32, #tpu.memory_space<vmem>>
    tpu.wait_dma2 semaphore(%arg15 : memref<!tpu.dma_semaphore, #tpu.memory_space<semaphore_mem>>) src(%dma_wait3A_281 : memref<128x128xf32, #tpu.memory_space<vmem>>) dst(%dma_wait3A_277 : memref<128x128xf32, #tpu.memory_space<hbm>>)
    %dma_wait3A_282 = arith.constant 46 : i32
    %dma_wait3A_283 = arith.constant 4 : i32
    %dma_wait3A_284 = arith.constant 0 : i32
    %dma_wait3A_285 = arith.constant 0 : i32
    %dma_wait3A_286 = tpu.memref_slice %arg6[%dma_wait3A_283, %dma_wait3A_284, %dma_wait3A_285] : memref<7x128x128xf32, #tpu.memory_space<vmem>> -> memref<1x128x128xf32, #tpu.memory_space<vmem>>
    %dma_wait3A_287 = tpu.memref_squeeze %dma_wait3A_286 : memref<1x128x128xf32, #tpu.memory_space<vmem>> -> memref<128x128xf32, #tpu.memory_space<vmem>>
    %dma_wait3A_288 = arith.constant 0 : i32
    %dma_wait3A_289 = tpu.memref_slice %arg5[%dma_wait3A_282, %dma_wait3A_288] : memref<50x128xi32, #tpu.memory_space<vmem>> -> memref<1x128xi32, #tpu.memory_space<vmem>>
    %dma_wait3A_290 = tpu.memref_squeeze %dma_wait3A_289 : memref<1x128xi32, #tpu.memory_space<vmem>> -> memref<128xi32, #tpu.memory_space<vmem>>
    %dma_wait3A_291 = arith.constant 0 : i32
    %dma_wait3A_292 = arith.constant 0 : i32
    %dma_wait3A_293 = tpu.memref_slice %arg3[%dma_wait3A_291, %dma_wait3A_292] : memref<100000x128xf32, #tpu.memory_space<hbm>> -> memref<100000x128xf32, #tpu.memory_space<hbm>>
    tpu.wait_indirect_dma semaphore(%arg11 : memref<!tpu.dma_semaphore, #tpu.memory_space<semaphore_mem>>) src(%dma_wait3A_293 : memref<100000x128xf32, #tpu.memory_space<hbm>>) dst(%dma_wait3A_287 : memref<128x128xf32, #tpu.memory_space<vmem>>)
    %dma_start3A_294 = arith.constant 4 : i32
    %dma_start3A_295 = arith.constant 46 : i32
    %dma_start3A_296 = arith.constant 0 : i32
    %dma_start3A_297 = arith.constant 0 : i32
    %dma_start3A_298 = tpu.memref_slice %arg6[%dma_start3A_294, %dma_start3A_296, %dma_start3A_297] : memref<7x128x128xf32, #tpu.memory_space<vmem>> -> memref<1x128x128xf32, #tpu.memory_space<vmem>>
    %dma_start3A_299 = tpu.memref_squeeze %dma_start3A_298 : memref<1x128x128xf32, #tpu.memory_space<vmem>> -> memref<128x128xf32, #tpu.memory_space<vmem>>
    %dma_start3A_300 = arith.constant 0 : i32
    %dma_start3A_301 = arith.constant 0 : i32
    %dma_start3A_302 = tpu.memref_slice %arg4[%dma_start3A_295, %dma_start3A_300, %dma_start3A_301] : memref<50x4096x128xf32, #tpu.memory_space<hbm>> -> memref<1x4096x128xf32, #tpu.memory_space<hbm>>
    %dma_start3A_303 = tpu.memref_squeeze %dma_start3A_302 : memref<1x4096x128xf32, #tpu.memory_space<hbm>> -> memref<4096x128xf32, #tpu.memory_space<hbm>>
    %dma_start3A_304 = arith.constant 0 : i32
    %dma_start3A_305 = tpu.memref_slice %dma_start3A_303[%mul3A_2, %dma_start3A_304] : memref<4096x128xf32, #tpu.memory_space<hbm>> -> memref<128x128xf32, #tpu.memory_space<hbm>>
    %dma_start3A_306 = arith.constant 0 : i32
    %dma_start3A_307 = arith.constant 0 : i32
    %dma_start3A_308 = tpu.memref_slice %arg4[%dma_start3A_295, %dma_start3A_306, %dma_start3A_307] : memref<50x4096x128xf32, #tpu.memory_space<hbm>> -> memref<1x4096x128xf32, #tpu.memory_space<hbm>>
    %dma_start3A_309 = tpu.memref_squeeze %dma_start3A_308 : memref<1x4096x128xf32, #tpu.memory_space<hbm>> -> memref<4096x128xf32, #tpu.memory_space<hbm>>
    %dma_start3A_310 = arith.constant 0 : i32
    %dma_start3A_311 = tpu.memref_slice %dma_start3A_309[%mul3A_2, %dma_start3A_310] : memref<4096x128xf32, #tpu.memory_space<hbm>> -> memref<128x128xf32, #tpu.memory_space<hbm>>
    %dma_start3A_312 = arith.constant 0 : i32
    %dma_start3A_313 = arith.constant 0 : i32
    %dma_start3A_314 = tpu.memref_slice %arg6[%dma_start3A_294, %dma_start3A_312, %dma_start3A_313] : memref<7x128x128xf32, #tpu.memory_space<vmem>> -> memref<1x128x128xf32, #tpu.memory_space<vmem>>
    %dma_start3A_315 = tpu.memref_squeeze %dma_start3A_314 : memref<1x128x128xf32, #tpu.memory_space<vmem>> -> memref<128x128xf32, #tpu.memory_space<vmem>>
    tpu.enqueue_dma source(%dma_start3A_315 : memref<128x128xf32, #tpu.memory_space<vmem>>) target(%dma_start3A_311 : memref<128x128xf32, #tpu.memory_space<hbm>>) target_semaphore(%arg18 : memref<!tpu.dma_semaphore, #tpu.memory_space<semaphore_mem>>)
    %dma_wait3A_316 = arith.constant 2 : i32
    %dma_wait3A_317 = arith.constant 44 : i32
    %dma_wait3A_318 = arith.constant 0 : i32
    %dma_wait3A_319 = arith.constant 0 : i32
    %dma_wait3A_320 = tpu.memref_slice %arg6[%dma_wait3A_316, %dma_wait3A_318, %dma_wait3A_319] : memref<7x128x128xf32, #tpu.memory_space<vmem>> -> memref<1x128x128xf32, #tpu.memory_space<vmem>>
    %dma_wait3A_321 = tpu.memref_squeeze %dma_wait3A_320 : memref<1x128x128xf32, #tpu.memory_space<vmem>> -> memref<128x128xf32, #tpu.memory_space<vmem>>
    %dma_wait3A_322 = arith.constant 0 : i32
    %dma_wait3A_323 = arith.constant 0 : i32
    %dma_wait3A_324 = tpu.memref_slice %arg4[%dma_wait3A_317, %dma_wait3A_322, %dma_wait3A_323] : memref<50x4096x128xf32, #tpu.memory_space<hbm>> -> memref<1x4096x128xf32, #tpu.memory_space<hbm>>
    %dma_wait3A_325 = tpu.memref_squeeze %dma_wait3A_324 : memref<1x4096x128xf32, #tpu.memory_space<hbm>> -> memref<4096x128xf32, #tpu.memory_space<hbm>>
    %dma_wait3A_326 = arith.constant 0 : i32
    %dma_wait3A_327 = tpu.memref_slice %dma_wait3A_325[%mul3A_2, %dma_wait3A_326] : memref<4096x128xf32, #tpu.memory_space<hbm>> -> memref<128x128xf32, #tpu.memory_space<hbm>>
    %dma_wait3A_328 = arith.constant 0 : i32
    %dma_wait3A_329 = arith.constant 0 : i32
    %dma_wait3A_330 = tpu.memref_slice %arg4[%dma_wait3A_317, %dma_wait3A_328, %dma_wait3A_329] : memref<50x4096x128xf32, #tpu.memory_space<hbm>> -> memref<1x4096x128xf32, #tpu.memory_space<hbm>>
    %dma_wait3A_331 = tpu.memref_squeeze %dma_wait3A_330 : memref<1x4096x128xf32, #tpu.memory_space<hbm>> -> memref<4096x128xf32, #tpu.memory_space<hbm>>
    %dma_wait3A_332 = arith.constant 0 : i32
    %dma_wait3A_333 = tpu.memref_slice %dma_wait3A_331[%mul3A_2, %dma_wait3A_332] : memref<4096x128xf32, #tpu.memory_space<hbm>> -> memref<128x128xf32, #tpu.memory_space<hbm>>
    %dma_wait3A_334 = arith.constant 0 : i32
    %dma_wait3A_335 = arith.constant 0 : i32
    %dma_wait3A_336 = tpu.memref_slice %arg6[%dma_wait3A_316, %dma_wait3A_334, %dma_wait3A_335] : memref<7x128x128xf32, #tpu.memory_space<vmem>> -> memref<1x128x128xf32, #tpu.memory_space<vmem>>
    %dma_wait3A_337 = tpu.memref_squeeze %dma_wait3A_336 : memref<1x128x128xf32, #tpu.memory_space<vmem>> -> memref<128x128xf32, #tpu.memory_space<vmem>>
    tpu.wait_dma2 semaphore(%arg16 : memref<!tpu.dma_semaphore, #tpu.memory_space<semaphore_mem>>) src(%dma_wait3A_337 : memref<128x128xf32, #tpu.memory_space<vmem>>) dst(%dma_wait3A_333 : memref<128x128xf32, #tpu.memory_space<hbm>>)
    %dma_wait3A_338 = arith.constant 47 : i32
    %dma_wait3A_339 = arith.constant 5 : i32
    %dma_wait3A_340 = arith.constant 0 : i32
    %dma_wait3A_341 = arith.constant 0 : i32
    %dma_wait3A_342 = tpu.memref_slice %arg6[%dma_wait3A_339, %dma_wait3A_340, %dma_wait3A_341] : memref<7x128x128xf32, #tpu.memory_space<vmem>> -> memref<1x128x128xf32, #tpu.memory_space<vmem>>
    %dma_wait3A_343 = tpu.memref_squeeze %dma_wait3A_342 : memref<1x128x128xf32, #tpu.memory_space<vmem>> -> memref<128x128xf32, #tpu.memory_space<vmem>>
    %dma_wait3A_344 = arith.constant 0 : i32
    %dma_wait3A_345 = tpu.memref_slice %arg5[%dma_wait3A_338, %dma_wait3A_344] : memref<50x128xi32, #tpu.memory_space<vmem>> -> memref<1x128xi32, #tpu.memory_space<vmem>>
    %dma_wait3A_346 = tpu.memref_squeeze %dma_wait3A_345 : memref<1x128xi32, #tpu.memory_space<vmem>> -> memref<128xi32, #tpu.memory_space<vmem>>
    %dma_wait3A_347 = arith.constant 0 : i32
    %dma_wait3A_348 = arith.constant 0 : i32
    %dma_wait3A_349 = tpu.memref_slice %arg3[%dma_wait3A_347, %dma_wait3A_348] : memref<100000x128xf32, #tpu.memory_space<hbm>> -> memref<100000x128xf32, #tpu.memory_space<hbm>>
    tpu.wait_indirect_dma semaphore(%arg12 : memref<!tpu.dma_semaphore, #tpu.memory_space<semaphore_mem>>) src(%dma_wait3A_349 : memref<100000x128xf32, #tpu.memory_space<hbm>>) dst(%dma_wait3A_343 : memref<128x128xf32, #tpu.memory_space<vmem>>)
    %dma_start3A_350 = arith.constant 5 : i32
    %dma_start3A_351 = arith.constant 47 : i32
    %dma_start3A_352 = arith.constant 0 : i32
    %dma_start3A_353 = arith.constant 0 : i32
    %dma_start3A_354 = tpu.memref_slice %arg6[%dma_start3A_350, %dma_start3A_352, %dma_start3A_353] : memref<7x128x128xf32, #tpu.memory_space<vmem>> -> memref<1x128x128xf32, #tpu.memory_space<vmem>>
    %dma_start3A_355 = tpu.memref_squeeze %dma_start3A_354 : memref<1x128x128xf32, #tpu.memory_space<vmem>> -> memref<128x128xf32, #tpu.memory_space<vmem>>
    %dma_start3A_356 = arith.constant 0 : i32
    %dma_start3A_357 = arith.constant 0 : i32
    %dma_start3A_358 = tpu.memref_slice %arg4[%dma_start3A_351, %dma_start3A_356, %dma_start3A_357] : memref<50x4096x128xf32, #tpu.memory_space<hbm>> -> memref<1x4096x128xf32, #tpu.memory_space<hbm>>
    %dma_start3A_359 = tpu.memref_squeeze %dma_start3A_358 : memref<1x4096x128xf32, #tpu.memory_space<hbm>> -> memref<4096x128xf32, #tpu.memory_space<hbm>>
    %dma_start3A_360 = arith.constant 0 : i32
    %dma_start3A_361 = tpu.memref_slice %dma_start3A_359[%mul3A_2, %dma_start3A_360] : memref<4096x128xf32, #tpu.memory_space<hbm>> -> memref<128x128xf32, #tpu.memory_space<hbm>>
    %dma_start3A_362 = arith.constant 0 : i32
    %dma_start3A_363 = arith.constant 0 : i32
    %dma_start3A_364 = tpu.memref_slice %arg4[%dma_start3A_351, %dma_start3A_362, %dma_start3A_363] : memref<50x4096x128xf32, #tpu.memory_space<hbm>> -> memref<1x4096x128xf32, #tpu.memory_space<hbm>>
    %dma_start3A_365 = tpu.memref_squeeze %dma_start3A_364 : memref<1x4096x128xf32, #tpu.memory_space<hbm>> -> memref<4096x128xf32, #tpu.memory_space<hbm>>
    %dma_start3A_366 = arith.constant 0 : i32
    %dma_start3A_367 = tpu.memref_slice %dma_start3A_365[%mul3A_2, %dma_start3A_366] : memref<4096x128xf32, #tpu.memory_space<hbm>> -> memref<128x128xf32, #tpu.memory_space<hbm>>
    %dma_start3A_368 = arith.constant 0 : i32
    %dma_start3A_369 = arith.constant 0 : i32
    %dma_start3A_370 = tpu.memref_slice %arg6[%dma_start3A_350, %dma_start3A_368, %dma_start3A_369] : memref<7x128x128xf32, #tpu.memory_space<vmem>> -> memref<1x128x128xf32, #tpu.memory_space<vmem>>
    %dma_start3A_371 = tpu.memref_squeeze %dma_start3A_370 : memref<1x128x128xf32, #tpu.memory_space<vmem>> -> memref<128x128xf32, #tpu.memory_space<vmem>>
    tpu.enqueue_dma source(%dma_start3A_371 : memref<128x128xf32, #tpu.memory_space<vmem>>) target(%dma_start3A_367 : memref<128x128xf32, #tpu.memory_space<hbm>>) target_semaphore(%arg19 : memref<!tpu.dma_semaphore, #tpu.memory_space<semaphore_mem>>)
    %dma_wait3A_372 = arith.constant 3 : i32
    %dma_wait3A_373 = arith.constant 45 : i32
    %dma_wait3A_374 = arith.constant 0 : i32
    %dma_wait3A_375 = arith.constant 0 : i32
    %dma_wait3A_376 = tpu.memref_slice %arg6[%dma_wait3A_372, %dma_wait3A_374, %dma_wait3A_375] : memref<7x128x128xf32, #tpu.memory_space<vmem>> -> memref<1x128x128xf32, #tpu.memory_space<vmem>>
    %dma_wait3A_377 = tpu.memref_squeeze %dma_wait3A_376 : memref<1x128x128xf32, #tpu.memory_space<vmem>> -> memref<128x128xf32, #tpu.memory_space<vmem>>
    %dma_wait3A_378 = arith.constant 0 : i32
    %dma_wait3A_379 = arith.constant 0 : i32
    %dma_wait3A_380 = tpu.memref_slice %arg4[%dma_wait3A_373, %dma_wait3A_378, %dma_wait3A_379] : memref<50x4096x128xf32, #tpu.memory_space<hbm>> -> memref<1x4096x128xf32, #tpu.memory_space<hbm>>
    %dma_wait3A_381 = tpu.memref_squeeze %dma_wait3A_380 : memref<1x4096x128xf32, #tpu.memory_space<hbm>> -> memref<4096x128xf32, #tpu.memory_space<hbm>>
    %dma_wait3A_382 = arith.constant 0 : i32
    %dma_wait3A_383 = tpu.memref_slice %dma_wait3A_381[%mul3A_2, %dma_wait3A_382] : memref<4096x128xf32, #tpu.memory_space<hbm>> -> memref<128x128xf32, #tpu.memory_space<hbm>>
    %dma_wait3A_384 = arith.constant 0 : i32
    %dma_wait3A_385 = arith.constant 0 : i32
    %dma_wait3A_386 = tpu.memref_slice %arg4[%dma_wait3A_373, %dma_wait3A_384, %dma_wait3A_385] : memref<50x4096x128xf32, #tpu.memory_space<hbm>> -> memref<1x4096x128xf32, #tpu.memory_space<hbm>>
    %dma_wait3A_387 = tpu.memref_squeeze %dma_wait3A_386 : memref<1x4096x128xf32, #tpu.memory_space<hbm>> -> memref<4096x128xf32, #tpu.memory_space<hbm>>
    %dma_wait3A_388 = arith.constant 0 : i32
    %dma_wait3A_389 = tpu.memref_slice %dma_wait3A_387[%mul3A_2, %dma_wait3A_388] : memref<4096x128xf32, #tpu.memory_space<hbm>> -> memref<128x128xf32, #tpu.memory_space<hbm>>
    %dma_wait3A_390 = arith.constant 0 : i32
    %dma_wait3A_391 = arith.constant 0 : i32
    %dma_wait3A_392 = tpu.memref_slice %arg6[%dma_wait3A_372, %dma_wait3A_390, %dma_wait3A_391] : memref<7x128x128xf32, #tpu.memory_space<vmem>> -> memref<1x128x128xf32, #tpu.memory_space<vmem>>
    %dma_wait3A_393 = tpu.memref_squeeze %dma_wait3A_392 : memref<1x128x128xf32, #tpu.memory_space<vmem>> -> memref<128x128xf32, #tpu.memory_space<vmem>>
    tpu.wait_dma2 semaphore(%arg17 : memref<!tpu.dma_semaphore, #tpu.memory_space<semaphore_mem>>) src(%dma_wait3A_393 : memref<128x128xf32, #tpu.memory_space<vmem>>) dst(%dma_wait3A_389 : memref<128x128xf32, #tpu.memory_space<hbm>>)
    %dma_wait3A_394 = arith.constant 48 : i32
    %dma_wait3A_395 = arith.constant 6 : i32
    %dma_wait3A_396 = arith.constant 0 : i32
    %dma_wait3A_397 = arith.constant 0 : i32
    %dma_wait3A_398 = tpu.memref_slice %arg6[%dma_wait3A_395, %dma_wait3A_396, %dma_wait3A_397] : memref<7x128x128xf32, #tpu.memory_space<vmem>> -> memref<1x128x128xf32, #tpu.memory_space<vmem>>
    %dma_wait3A_399 = tpu.memref_squeeze %dma_wait3A_398 : memref<1x128x128xf32, #tpu.memory_space<vmem>> -> memref<128x128xf32, #tpu.memory_space<vmem>>
    %dma_wait3A_400 = arith.constant 0 : i32
    %dma_wait3A_401 = tpu.memref_slice %arg5[%dma_wait3A_394, %dma_wait3A_400] : memref<50x128xi32, #tpu.memory_space<vmem>> -> memref<1x128xi32, #tpu.memory_space<vmem>>
    %dma_wait3A_402 = tpu.memref_squeeze %dma_wait3A_401 : memref<1x128xi32, #tpu.memory_space<vmem>> -> memref<128xi32, #tpu.memory_space<vmem>>
    %dma_wait3A_403 = arith.constant 0 : i32
    %dma_wait3A_404 = arith.constant 0 : i32
    %dma_wait3A_405 = tpu.memref_slice %arg3[%dma_wait3A_403, %dma_wait3A_404] : memref<100000x128xf32, #tpu.memory_space<hbm>> -> memref<100000x128xf32, #tpu.memory_space<hbm>>
    tpu.wait_indirect_dma semaphore(%arg13 : memref<!tpu.dma_semaphore, #tpu.memory_space<semaphore_mem>>) src(%dma_wait3A_405 : memref<100000x128xf32, #tpu.memory_space<hbm>>) dst(%dma_wait3A_399 : memref<128x128xf32, #tpu.memory_space<vmem>>)
    %dma_start3A_406 = arith.constant 6 : i32
    %dma_start3A_407 = arith.constant 48 : i32
    %dma_start3A_408 = arith.constant 0 : i32
    %dma_start3A_409 = arith.constant 0 : i32
    %dma_start3A_410 = tpu.memref_slice %arg6[%dma_start3A_406, %dma_start3A_408, %dma_start3A_409] : memref<7x128x128xf32, #tpu.memory_space<vmem>> -> memref<1x128x128xf32, #tpu.memory_space<vmem>>
    %dma_start3A_411 = tpu.memref_squeeze %dma_start3A_410 : memref<1x128x128xf32, #tpu.memory_space<vmem>> -> memref<128x128xf32, #tpu.memory_space<vmem>>
    %dma_start3A_412 = arith.constant 0 : i32
    %dma_start3A_413 = arith.constant 0 : i32
    %dma_start3A_414 = tpu.memref_slice %arg4[%dma_start3A_407, %dma_start3A_412, %dma_start3A_413] : memref<50x4096x128xf32, #tpu.memory_space<hbm>> -> memref<1x4096x128xf32, #tpu.memory_space<hbm>>
    %dma_start3A_415 = tpu.memref_squeeze %dma_start3A_414 : memref<1x4096x128xf32, #tpu.memory_space<hbm>> -> memref<4096x128xf32, #tpu.memory_space<hbm>>
    %dma_start3A_416 = arith.constant 0 : i32
    %dma_start3A_417 = tpu.memref_slice %dma_start3A_415[%mul3A_2, %dma_start3A_416] : memref<4096x128xf32, #tpu.memory_space<hbm>> -> memref<128x128xf32, #tpu.memory_space<hbm>>
    %dma_start3A_418 = arith.constant 0 : i32
    %dma_start3A_419 = arith.constant 0 : i32
    %dma_start3A_420 = tpu.memref_slice %arg4[%dma_start3A_407, %dma_start3A_418, %dma_start3A_419] : memref<50x4096x128xf32, #tpu.memory_space<hbm>> -> memref<1x4096x128xf32, #tpu.memory_space<hbm>>
    %dma_start3A_421 = tpu.memref_squeeze %dma_start3A_420 : memref<1x4096x128xf32, #tpu.memory_space<hbm>> -> memref<4096x128xf32, #tpu.memory_space<hbm>>
    %dma_start3A_422 = arith.constant 0 : i32
    %dma_start3A_423 = tpu.memref_slice %dma_start3A_421[%mul3A_2, %dma_start3A_422] : memref<4096x128xf32, #tpu.memory_space<hbm>> -> memref<128x128xf32, #tpu.memory_space<hbm>>
    %dma_start3A_424 = arith.constant 0 : i32
    %dma_start3A_425 = arith.constant 0 : i32
    %dma_start3A_426 = tpu.memref_slice %arg6[%dma_start3A_406, %dma_start3A_424, %dma_start3A_425] : memref<7x128x128xf32, #tpu.memory_space<vmem>> -> memref<1x128x128xf32, #tpu.memory_space<vmem>>
    %dma_start3A_427 = tpu.memref_squeeze %dma_start3A_426 : memref<1x128x128xf32, #tpu.memory_space<vmem>> -> memref<128x128xf32, #tpu.memory_space<vmem>>
    tpu.enqueue_dma source(%dma_start3A_427 : memref<128x128xf32, #tpu.memory_space<vmem>>) target(%dma_start3A_423 : memref<128x128xf32, #tpu.memory_space<hbm>>) target_semaphore(%arg20 : memref<!tpu.dma_semaphore, #tpu.memory_space<semaphore_mem>>)
    %dma_wait3A_428 = arith.constant 4 : i32
    %dma_wait3A_429 = arith.constant 46 : i32
    %dma_wait3A_430 = arith.constant 0 : i32
    %dma_wait3A_431 = arith.constant 0 : i32
    %dma_wait3A_432 = tpu.memref_slice %arg6[%dma_wait3A_428, %dma_wait3A_430, %dma_wait3A_431] : memref<7x128x128xf32, #tpu.memory_space<vmem>> -> memref<1x128x128xf32, #tpu.memory_space<vmem>>
    %dma_wait3A_433 = tpu.memref_squeeze %dma_wait3A_432 : memref<1x128x128xf32, #tpu.memory_space<vmem>> -> memref<128x128xf32, #tpu.memory_space<vmem>>
    %dma_wait3A_434 = arith.constant 0 : i32
    %dma_wait3A_435 = arith.constant 0 : i32
    %dma_wait3A_436 = tpu.memref_slice %arg4[%dma_wait3A_429, %dma_wait3A_434, %dma_wait3A_435] : memref<50x4096x128xf32, #tpu.memory_space<hbm>> -> memref<1x4096x128xf32, #tpu.memory_space<hbm>>
    %dma_wait3A_437 = tpu.memref_squeeze %dma_wait3A_436 : memref<1x4096x128xf32, #tpu.memory_space<hbm>> -> memref<4096x128xf32, #tpu.memory_space<hbm>>
    %dma_wait3A_438 = arith.constant 0 : i32
    %dma_wait3A_439 = tpu.memref_slice %dma_wait3A_437[%mul3A_2, %dma_wait3A_438] : memref<4096x128xf32, #tpu.memory_space<hbm>> -> memref<128x128xf32, #tpu.memory_space<hbm>>
    %dma_wait3A_440 = arith.constant 0 : i32
    %dma_wait3A_441 = arith.constant 0 : i32
    %dma_wait3A_442 = tpu.memref_slice %arg4[%dma_wait3A_429, %dma_wait3A_440, %dma_wait3A_441] : memref<50x4096x128xf32, #tpu.memory_space<hbm>> -> memref<1x4096x128xf32, #tpu.memory_space<hbm>>
    %dma_wait3A_443 = tpu.memref_squeeze %dma_wait3A_442 : memref<1x4096x128xf32, #tpu.memory_space<hbm>> -> memref<4096x128xf32, #tpu.memory_space<hbm>>
    %dma_wait3A_444 = arith.constant 0 : i32
    %dma_wait3A_445 = tpu.memref_slice %dma_wait3A_443[%mul3A_2, %dma_wait3A_444] : memref<4096x128xf32, #tpu.memory_space<hbm>> -> memref<128x128xf32, #tpu.memory_space<hbm>>
    %dma_wait3A_446 = arith.constant 0 : i32
    %dma_wait3A_447 = arith.constant 0 : i32
    %dma_wait3A_448 = tpu.memref_slice %arg6[%dma_wait3A_428, %dma_wait3A_446, %dma_wait3A_447] : memref<7x128x128xf32, #tpu.memory_space<vmem>> -> memref<1x128x128xf32, #tpu.memory_space<vmem>>
    %dma_wait3A_449 = tpu.memref_squeeze %dma_wait3A_448 : memref<1x128x128xf32, #tpu.memory_space<vmem>> -> memref<128x128xf32, #tpu.memory_space<vmem>>
    tpu.wait_dma2 semaphore(%arg18 : memref<!tpu.dma_semaphore, #tpu.memory_space<semaphore_mem>>) src(%dma_wait3A_449 : memref<128x128xf32, #tpu.memory_space<vmem>>) dst(%dma_wait3A_445 : memref<128x128xf32, #tpu.memory_space<hbm>>)
    %dma_wait3A_450 = arith.constant 49 : i32
    %dma_wait3A_451 = arith.constant 0 : i32
    %dma_wait3A_452 = arith.constant 0 : i32
    %dma_wait3A_453 = arith.constant 0 : i32
    %dma_wait3A_454 = tpu.memref_slice %arg6[%dma_wait3A_451, %dma_wait3A_452, %dma_wait3A_453] : memref<7x128x128xf32, #tpu.memory_space<vmem>> -> memref<1x128x128xf32, #tpu.memory_space<vmem>>
    %dma_wait3A_455 = tpu.memref_squeeze %dma_wait3A_454 : memref<1x128x128xf32, #tpu.memory_space<vmem>> -> memref<128x128xf32, #tpu.memory_space<vmem>>
    %dma_wait3A_456 = arith.constant 0 : i32
    %dma_wait3A_457 = tpu.memref_slice %arg5[%dma_wait3A_450, %dma_wait3A_456] : memref<50x128xi32, #tpu.memory_space<vmem>> -> memref<1x128xi32, #tpu.memory_space<vmem>>
    %dma_wait3A_458 = tpu.memref_squeeze %dma_wait3A_457 : memref<1x128xi32, #tpu.memory_space<vmem>> -> memref<128xi32, #tpu.memory_space<vmem>>
    %dma_wait3A_459 = arith.constant 0 : i32
    %dma_wait3A_460 = arith.constant 0 : i32
    %dma_wait3A_461 = tpu.memref_slice %arg3[%dma_wait3A_459, %dma_wait3A_460] : memref<100000x128xf32, #tpu.memory_space<hbm>> -> memref<100000x128xf32, #tpu.memory_space<hbm>>
    tpu.wait_indirect_dma semaphore(%arg7 : memref<!tpu.dma_semaphore, #tpu.memory_space<semaphore_mem>>) src(%dma_wait3A_461 : memref<100000x128xf32, #tpu.memory_space<hbm>>) dst(%dma_wait3A_455 : memref<128x128xf32, #tpu.memory_space<vmem>>)
    %dma_start3A_462 = arith.constant 0 : i32
    %dma_start3A_463 = arith.constant 49 : i32
    %dma_start3A_464 = arith.constant 0 : i32
    %dma_start3A_465 = arith.constant 0 : i32
    %dma_start3A_466 = tpu.memref_slice %arg6[%dma_start3A_462, %dma_start3A_464, %dma_start3A_465] : memref<7x128x128xf32, #tpu.memory_space<vmem>> -> memref<1x128x128xf32, #tpu.memory_space<vmem>>
    %dma_start3A_467 = tpu.memref_squeeze %dma_start3A_466 : memref<1x128x128xf32, #tpu.memory_space<vmem>> -> memref<128x128xf32, #tpu.memory_space<vmem>>
    %dma_start3A_468 = arith.constant 0 : i32
    %dma_start3A_469 = arith.constant 0 : i32
    %dma_start3A_470 = tpu.memref_slice %arg4[%dma_start3A_463, %dma_start3A_468, %dma_start3A_469] : memref<50x4096x128xf32, #tpu.memory_space<hbm>> -> memref<1x4096x128xf32, #tpu.memory_space<hbm>>
    %dma_start3A_471 = tpu.memref_squeeze %dma_start3A_470 : memref<1x4096x128xf32, #tpu.memory_space<hbm>> -> memref<4096x128xf32, #tpu.memory_space<hbm>>
    %dma_start3A_472 = arith.constant 0 : i32
    %dma_start3A_473 = tpu.memref_slice %dma_start3A_471[%mul3A_2, %dma_start3A_472] : memref<4096x128xf32, #tpu.memory_space<hbm>> -> memref<128x128xf32, #tpu.memory_space<hbm>>
    %dma_start3A_474 = arith.constant 0 : i32
    %dma_start3A_475 = arith.constant 0 : i32
    %dma_start3A_476 = tpu.memref_slice %arg4[%dma_start3A_463, %dma_start3A_474, %dma_start3A_475] : memref<50x4096x128xf32, #tpu.memory_space<hbm>> -> memref<1x4096x128xf32, #tpu.memory_space<hbm>>
    %dma_start3A_477 = tpu.memref_squeeze %dma_start3A_476 : memref<1x4096x128xf32, #tpu.memory_space<hbm>> -> memref<4096x128xf32, #tpu.memory_space<hbm>>
    %dma_start3A_478 = arith.constant 0 : i32
    %dma_start3A_479 = tpu.memref_slice %dma_start3A_477[%mul3A_2, %dma_start3A_478] : memref<4096x128xf32, #tpu.memory_space<hbm>> -> memref<128x128xf32, #tpu.memory_space<hbm>>
    %dma_start3A_480 = arith.constant 0 : i32
    %dma_start3A_481 = arith.constant 0 : i32
    %dma_start3A_482 = tpu.memref_slice %arg6[%dma_start3A_462, %dma_start3A_480, %dma_start3A_481] : memref<7x128x128xf32, #tpu.memory_space<vmem>> -> memref<1x128x128xf32, #tpu.memory_space<vmem>>
    %dma_start3A_483 = tpu.memref_squeeze %dma_start3A_482 : memref<1x128x128xf32, #tpu.memory_space<vmem>> -> memref<128x128xf32, #tpu.memory_space<vmem>>
    tpu.enqueue_dma source(%dma_start3A_483 : memref<128x128xf32, #tpu.memory_space<vmem>>) target(%dma_start3A_479 : memref<128x128xf32, #tpu.memory_space<hbm>>) target_semaphore(%arg14 : memref<!tpu.dma_semaphore, #tpu.memory_space<semaphore_mem>>)
    %dma_wait3A_484 = arith.constant 5 : i32
    %dma_wait3A_485 = arith.constant 47 : i32
    %dma_wait3A_486 = arith.constant 0 : i32
    %dma_wait3A_487 = arith.constant 0 : i32
    %dma_wait3A_488 = tpu.memref_slice %arg6[%dma_wait3A_484, %dma_wait3A_486, %dma_wait3A_487] : memref<7x128x128xf32, #tpu.memory_space<vmem>> -> memref<1x128x128xf32, #tpu.memory_space<vmem>>
    %dma_wait3A_489 = tpu.memref_squeeze %dma_wait3A_488 : memref<1x128x128xf32, #tpu.memory_space<vmem>> -> memref<128x128xf32, #tpu.memory_space<vmem>>
    %dma_wait3A_490 = arith.constant 0 : i32
    %dma_wait3A_491 = arith.constant 0 : i32
    %dma_wait3A_492 = tpu.memref_slice %arg4[%dma_wait3A_485, %dma_wait3A_490, %dma_wait3A_491] : memref<50x4096x128xf32, #tpu.memory_space<hbm>> -> memref<1x4096x128xf32, #tpu.memory_space<hbm>>
    %dma_wait3A_493 = tpu.memref_squeeze %dma_wait3A_492 : memref<1x4096x128xf32, #tpu.memory_space<hbm>> -> memref<4096x128xf32, #tpu.memory_space<hbm>>
    %dma_wait3A_494 = arith.constant 0 : i32
    %dma_wait3A_495 = tpu.memref_slice %dma_wait3A_493[%mul3A_2, %dma_wait3A_494] : memref<4096x128xf32, #tpu.memory_space<hbm>> -> memref<128x128xf32, #tpu.memory_space<hbm>>
    %dma_wait3A_496 = arith.constant 0 : i32
    %dma_wait3A_497 = arith.constant 0 : i32
    %dma_wait3A_498 = tpu.memref_slice %arg4[%dma_wait3A_485, %dma_wait3A_496, %dma_wait3A_497] : memref<50x4096x128xf32, #tpu.memory_space<hbm>> -> memref<1x4096x128xf32, #tpu.memory_space<hbm>>
    %dma_wait3A_499 = tpu.memref_squeeze %dma_wait3A_498 : memref<1x4096x128xf32, #tpu.memory_space<hbm>> -> memref<4096x128xf32, #tpu.memory_space<hbm>>
    %dma_wait3A_500 = arith.constant 0 : i32
    %dma_wait3A_501 = tpu.memref_slice %dma_wait3A_499[%mul3A_2, %dma_wait3A_500] : memref<4096x128xf32, #tpu.memory_space<hbm>> -> memref<128x128xf32, #tpu.memory_space<hbm>>
    %dma_wait3A_502 = arith.constant 0 : i32
    %dma_wait3A_503 = arith.constant 0 : i32
    %dma_wait3A_504 = tpu.memref_slice %arg6[%dma_wait3A_484, %dma_wait3A_502, %dma_wait3A_503] : memref<7x128x128xf32, #tpu.memory_space<vmem>> -> memref<1x128x128xf32, #tpu.memory_space<vmem>>
    %dma_wait3A_505 = tpu.memref_squeeze %dma_wait3A_504 : memref<1x128x128xf32, #tpu.memory_space<vmem>> -> memref<128x128xf32, #tpu.memory_space<vmem>>
    tpu.wait_dma2 semaphore(%arg19 : memref<!tpu.dma_semaphore, #tpu.memory_space<semaphore_mem>>) src(%dma_wait3A_505 : memref<128x128xf32, #tpu.memory_space<vmem>>) dst(%dma_wait3A_501 : memref<128x128xf32, #tpu.memory_space<hbm>>)
    %dma_wait3A_506 = arith.constant 6 : i32
    %dma_wait3A_507 = arith.constant 48 : i32
    %dma_wait3A_508 = arith.constant 0 : i32
    %dma_wait3A_509 = arith.constant 0 : i32
    %dma_wait3A_510 = tpu.memref_slice %arg6[%dma_wait3A_506, %dma_wait3A_508, %dma_wait3A_509] : memref<7x128x128xf32, #tpu.memory_space<vmem>> -> memref<1x128x128xf32, #tpu.memory_space<vmem>>
    %dma_wait3A_511 = tpu.memref_squeeze %dma_wait3A_510 : memref<1x128x128xf32, #tpu.memory_space<vmem>> -> memref<128x128xf32, #tpu.memory_space<vmem>>
    %dma_wait3A_512 = arith.constant 0 : i32
    %dma_wait3A_513 = arith.constant 0 : i32
    %dma_wait3A_514 = tpu.memref_slice %arg4[%dma_wait3A_507, %dma_wait3A_512, %dma_wait3A_513] : memref<50x4096x128xf32, #tpu.memory_space<hbm>> -> memref<1x4096x128xf32, #tpu.memory_space<hbm>>
    %dma_wait3A_515 = tpu.memref_squeeze %dma_wait3A_514 : memref<1x4096x128xf32, #tpu.memory_space<hbm>> -> memref<4096x128xf32, #tpu.memory_space<hbm>>
    %dma_wait3A_516 = arith.constant 0 : i32
    %dma_wait3A_517 = tpu.memref_slice %dma_wait3A_515[%mul3A_2, %dma_wait3A_516] : memref<4096x128xf32, #tpu.memory_space<hbm>> -> memref<128x128xf32, #tpu.memory_space<hbm>>
    %dma_wait3A_518 = arith.constant 0 : i32
    %dma_wait3A_519 = arith.constant 0 : i32
    %dma_wait3A_520 = tpu.memref_slice %arg4[%dma_wait3A_507, %dma_wait3A_518, %dma_wait3A_519] : memref<50x4096x128xf32, #tpu.memory_space<hbm>> -> memref<1x4096x128xf32, #tpu.memory_space<hbm>>
    %dma_wait3A_521 = tpu.memref_squeeze %dma_wait3A_520 : memref<1x4096x128xf32, #tpu.memory_space<hbm>> -> memref<4096x128xf32, #tpu.memory_space<hbm>>
    %dma_wait3A_522 = arith.constant 0 : i32
    %dma_wait3A_523 = tpu.memref_slice %dma_wait3A_521[%mul3A_2, %dma_wait3A_522] : memref<4096x128xf32, #tpu.memory_space<hbm>> -> memref<128x128xf32, #tpu.memory_space<hbm>>
    %dma_wait3A_524 = arith.constant 0 : i32
    %dma_wait3A_525 = arith.constant 0 : i32
    %dma_wait3A_526 = tpu.memref_slice %arg6[%dma_wait3A_506, %dma_wait3A_524, %dma_wait3A_525] : memref<7x128x128xf32, #tpu.memory_space<vmem>> -> memref<1x128x128xf32, #tpu.memory_space<vmem>>
    %dma_wait3A_527 = tpu.memref_squeeze %dma_wait3A_526 : memref<1x128x128xf32, #tpu.memory_space<vmem>> -> memref<128x128xf32, #tpu.memory_space<vmem>>
    tpu.wait_dma2 semaphore(%arg20 : memref<!tpu.dma_semaphore, #tpu.memory_space<semaphore_mem>>) src(%dma_wait3A_527 : memref<128x128xf32, #tpu.memory_space<vmem>>) dst(%dma_wait3A_523 : memref<128x128xf32, #tpu.memory_space<hbm>>)
    %dma_wait3A_528 = arith.constant 0 : i32
    %dma_wait3A_529 = arith.constant 49 : i32
    %dma_wait3A_530 = arith.constant 0 : i32
    %dma_wait3A_531 = arith.constant 0 : i32
    %dma_wait3A_532 = tpu.memref_slice %arg6[%dma_wait3A_528, %dma_wait3A_530, %dma_wait3A_531] : memref<7x128x128xf32, #tpu.memory_space<vmem>> -> memref<1x128x128xf32, #tpu.memory_space<vmem>>
    %dma_wait3A_533 = tpu.memref_squeeze %dma_wait3A_532 : memref<1x128x128xf32, #tpu.memory_space<vmem>> -> memref<128x128xf32, #tpu.memory_space<vmem>>
    %dma_wait3A_534 = arith.constant 0 : i32
    %dma_wait3A_535 = arith.constant 0 : i32
    %dma_wait3A_536 = tpu.memref_slice %arg4[%dma_wait3A_529, %dma_wait3A_534, %dma_wait3A_535] : memref<50x4096x128xf32, #tpu.memory_space<hbm>> -> memref<1x4096x128xf32, #tpu.memory_space<hbm>>
    %dma_wait3A_537 = tpu.memref_squeeze %dma_wait3A_536 : memref<1x4096x128xf32, #tpu.memory_space<hbm>> -> memref<4096x128xf32, #tpu.memory_space<hbm>>
    %dma_wait3A_538 = arith.constant 0 : i32
    %dma_wait3A_539 = tpu.memref_slice %dma_wait3A_537[%mul3A_2, %dma_wait3A_538] : memref<4096x128xf32, #tpu.memory_space<hbm>> -> memref<128x128xf32, #tpu.memory_space<hbm>>
    %dma_wait3A_540 = arith.constant 0 : i32
    %dma_wait3A_541 = arith.constant 0 : i32
    %dma_wait3A_542 = tpu.memref_slice %arg4[%dma_wait3A_529, %dma_wait3A_540, %dma_wait3A_541] : memref<50x4096x128xf32, #tpu.memory_space<hbm>> -> memref<1x4096x128xf32, #tpu.memory_space<hbm>>
    %dma_wait3A_543 = tpu.memref_squeeze %dma_wait3A_542 : memref<1x4096x128xf32, #tpu.memory_space<hbm>> -> memref<4096x128xf32, #tpu.memory_space<hbm>>
    %dma_wait3A_544 = arith.constant 0 : i32
    %dma_wait3A_545 = tpu.memref_slice %dma_wait3A_543[%mul3A_2, %dma_wait3A_544] : memref<4096x128xf32, #tpu.memory_space<hbm>> -> memref<128x128xf32, #tpu.memory_space<hbm>>
    %dma_wait3A_546 = arith.constant 0 : i32
    %dma_wait3A_547 = arith.constant 0 : i32
    %dma_wait3A_548 = tpu.memref_slice %arg6[%dma_wait3A_528, %dma_wait3A_546, %dma_wait3A_547] : memref<7x128x128xf32, #tpu.memory_space<vmem>> -> memref<1x128x128xf32, #tpu.memory_space<vmem>>
    %dma_wait3A_549 = tpu.memref_squeeze %dma_wait3A_548 : memref<1x128x128xf32, #tpu.memory_space<vmem>> -> memref<128x128xf32, #tpu.memory_space<vmem>>
    tpu.wait_dma2 semaphore(%arg14 : memref<!tpu.dma_semaphore, #tpu.memory_space<semaphore_mem>>) src(%dma_wait3A_549 : memref<128x128xf32, #tpu.memory_space<vmem>>) dst(%dma_wait3A_545 : memref<128x128xf32, #tpu.memory_space<hbm>>)
    return
  }
}

</mosaic_0001>

<sc_bundles>
// kernel: kernel.3.cloned.1.call-start
scs
__scs_entry_jumppad:
0x0: {  	(pc) =	sbr.rel $0x88, $3  }
0x1: {  	(tag) =	ssettag $0x0;
	lr =	simm.s32 $0x1  }
0x2: {  	[smem:$0x3F9F] =	sst lr;
	_ =	strace $0xD0000000  }
0x3: {  	_ = 	snop  }
0x4: {  	_ = 	snop  }
0x5: {  	_ = 	snop  }
0x6: {  	_ = 	snop  }
0x7: {  	_ = 	snop  }
__scs_overlays_trampoline_lowered:
0x8: {  	[smem:$0x3FAE] =	sst s0  }
0x9: {  	[smem:$0x3FAF] =	sst s1  }
0xa: {  	[smem:$0x3FB0] =	sst s2  }
0xb: {  	[smem:$0x3FB1] =	sst s3  }
0xc: {  	[smem:$0x3FB2] =	sst s4  }
0xd: {  	[smem:$0x3FB3] =	sst s5  }
0xe: {  	[smem:$0x3FB4] =	sst s6  }
0xf: {  	[smem:$0x3FB5] =	sst s7  }
0x10: {  	[smem:$0x3FB6] =	sst s8  }
0x11: {  	[smem:$0x3FB7] =	sst s9;
	s0 =	simm.s32 @!p0 $0x0  }
0x12: {  	s1 =	sld [smem:$0x3F9D];
	s0 =	simm.s32 @p0 $0x1  }
0x13: {  	[smem:$0x3FB8] =	sst s0;
	s0 =	simm.s32 @!p1 $0x0  }
0x14: {  	s2 =	sld [smem:$0x3F9C];
	s0 =	simm.s32 @p1 $0x1  }
0x15: {  	[smem:$0x3FB9] =	sst s0;
	s0 =	simm.s32 @!p2 $0x0  }
0x16: {  	s3 =	sld [smem:$0x3FDB];
	s0 =	simm.s32 @p2 $0x1  }
0x17: {  	s4 =	simm.s32 $0x1BF5;
	[smem:$0x3FBB] =	sst s0  }
0x18: {  	s0 =	sld [smem:$0x3F9E];
	_ =	swait.ge [sflag:s4], $0x0  }
0x19: {  	s7 =	sld [smem:$0x3F9F]  }
0x1a: {  	s8 =	sadd.s32 $0xFFFFE003, lr  }
0x1b: {  	s9 =	sadd.s32 $0xFFFFFEF7, lr;
	s5 =	simm.s32 $0xFFFFFFFF;
	p2 =	slt.u32 s8, $0xFFFFF086  }
0x1c: {  	p1 =	slt.u32 s9, $0xF7A;
	s5 =	simm.s32 @!p2 $0x0  }
0x1d: {  	s5 =	simm.s32 @p1 $0x1;
	p0 =	seq.s32 s7, s2  }
0x1e: {  	s7 =	smul.u32 @!p0 $0xF7A, s2;
	p2 =	seq.s32 @!p0 s5, $0x0  }
0x1f: {  	s9 =	smul.u32 $0xF7A, s1;
	s8 =	simm.s32 @!p0 $0x1BF5;
	p2 =	por !p2, p0  }
0x20: {  	[sflag:s8] =	ssyncset.s32 @!p0 $0xFFFFF086;
	s6 =	sadd.s32 @!p0 s3, s7;
	s7 =	simm.s32 @!p0 $0x108  }
0x21: {  	s3 =	sadd.s32 s3, s9;
	s6 =	sadd.s32 @!p0 $0x88, s6;
	s7 =	simm.s32 @p2 $0x1082  }
0x22: {  	[simem:s7], [sflag:s8] =	dma.local @!p0 [hbm:s6], $0xF7A  }
0x23: {  	s9 =	sor.u32 $0xD0000000, s2;
	s6 =	simm.s32 $0x108;
	_ =	swait.ge @!p0 [sflag:s8], $0x0  }
0x24: {  	s3 =	sadd.s32 $0x88, s3;
	s6 =	simm.s32 @!p1 $0x1082;
	[sflag:s4] =	ssyncset.s32 $0xFFFFF086  }
0x25: {  	[simem:s6], [sflag:s4] =	dma.local [hbm:s3], $0xF7A  }
0x26: {  	[smem:$0x3F9F] =	sst s1;
	(tag) =	ssettag s2;
	_ =	strace s9  }
0x27: {  	s1 =	sld [smem:$0x3FAF]  }
0x28: {  	s2 =	sld [smem:$0x3FB0]  }
0x29: {  	s4 =	sld [smem:$0x3FB2]  }
0x2a: {  	p0 =	seq.s32 s5, $0x0;
	s5 =	sld [smem:$0x3FB3]  }
0x2b: {  	s6 =	sld [smem:$0x3FB4]  }
0x2c: {  	s7 =	sld [smem:$0x3FB5]  }
0x2d: {  	s3 =	simm.s32 $0x108;
	s8 =	sld [smem:$0x3FB6]  }
0x2e: {  	s3 =	simm.s32 @!p0 $0x1082;
	s9 =	sld [smem:$0x3FB7]  }
0x2f: {  	lr =	sadd.s32 s0, s3;
	s0 =	sld [smem:$0x3FAE]  }
0x30: {  	s3 =	sld [smem:$0x3FB1]  }
0x31: {  	[smem:$0x3FBA] =	sst s10  }
0x32: {  	s10 =	sld [smem:$0x3FB8];
	_ =	sdelay $0x3  }
0x33: {  	p0 =	seq.s32 s10, $0x1;
	s10 =	sld [smem:$0x3FBA];
	_ =	sdelay $0x3  }
0x34: {  	[smem:$0x3FBA] =	sst s10  }
0x35: {  	s10 =	sld [smem:$0x3FB9];
	_ =	sdelay $0x3  }
0x36: {  	p1 =	seq.s32 s10, $0x1;
	s10 =	sld [smem:$0x3FBA];
	_ =	sdelay $0x3  }
0x37: {  	[smem:$0x3FBA] =	sst s10  }
0x38: {  	s10 =	sld [smem:$0x3FBB]  }
0x39: {  	_ = 	snop;
	(pc) =	sbr.ind lr, $3  }
0x3a: {  	_ = 	snop  }
0x3b: {  	_ = 	snop  }
0x3c: {  	p2 =	seq.s32 s10, $0x1;
	s10 =	sld [smem:$0x3FBA]  }
0x3d: {  	_ =	shalt  }
0x3e: {  	_ =	shalt  }
0x3f: {  	_ =	shalt  }
0x40: {  	_ =	shalt  }
0x41: {  	_ =	shalt  }
0x42: {  	_ =	shalt  }
0x43: {  	_ =	shalt  }
0x44: {  	_ =	shalt  }
0x45: {  	_ =	shalt  }
0x46: {  	_ =	shalt  }
0x47: {  	_ =	shalt  }
0x48: {  	_ =	shalt  }
0x49: {  	_ =	shalt  }
0x4a: {  	_ =	shalt  }
0x4b: {  	_ =	shalt  }
0x4c: {  	_ =	shalt  }
0x4d: {  	_ =	shalt  }
0x4e: {  	_ =	shalt  }
0x4f: {  	_ =	shalt  }
0x50: {  	_ =	shalt  }
0x51: {  	_ =	shalt  }
0x52: {  	_ =	shalt  }
0x53: {  	_ =	shalt  }
0x54: {  	_ =	shalt  }
0x55: {  	_ =	shalt  }
0x56: {  	_ =	shalt  }
0x57: {  	_ =	shalt  }
0x58: {  	_ =	shalt  }
0x59: {  	_ =	shalt  }
0x5a: {  	_ =	shalt  }
0x5b: {  	_ =	shalt  }
0x5c: {  	_ =	shalt  }
0x5d: {  	_ =	shalt  }
0x5e: {  	_ =	shalt  }
0x5f: {  	_ =	shalt  }
0x60: {  	_ =	shalt  }
0x61: {  	_ =	shalt  }
0x62: {  	_ =	shalt  }
0x63: {  	_ =	shalt  }
0x64: {  	_ =	shalt  }
0x65: {  	_ =	shalt  }
0x66: {  	_ =	shalt  }
0x67: {  	_ =	shalt  }
0x68: {  	_ =	shalt  }
0x69: {  	_ =	shalt  }
0x6a: {  	_ =	shalt  }
0x6b: {  	_ =	shalt  }
0x6c: {  	_ =	shalt  }
0x6d: {  	_ =	shalt  }
0x6e: {  	_ =	shalt  }
0x6f: {  	_ =	shalt  }
0x70: {  	_ =	shalt  }
0x71: {  	_ =	shalt  }
0x72: {  	_ =	shalt  }
0x73: {  	_ =	shalt  }
0x74: {  	_ =	shalt  }
0x75: {  	_ =	shalt  }
0x76: {  	_ =	shalt  }
0x77: {  	_ =	shalt  }
0x78: {  	_ =	shalt  }
0x79: {  	_ =	shalt  }
0x7a: {  	_ =	shalt  }
0x7b: {  	_ =	shalt  }
0x7c: {  	_ =	shalt  }
0x7d: {  	_ =	shalt  }
0x7e: {  	_ =	shalt  }
0x7f: {  	_ =	shalt  }
0x80: {  	_ =	shalt  }
0x81: {  	_ =	shalt  }
0x82: {  	_ =	shalt  }
0x83: {  	_ =	shalt  }
0x84: {  	_ =	shalt  }
0x85: {  	_ =	shalt  }
0x86: {  	_ =	shalt  }
0x87: {  	_ =	shalt  }
.Lfunc_end0:
.L_simem_size_0:
called_computation_lowered:
.L_overlay_start_0:
0x88: {  	s2 =	sld [smem:$0x3FD9]  }
0x89: {  	s3 =	sld [smem:$0x3FFE];
	_ =	sdelay $0x1  }
0x8a: {  	s1 =	srdreg.scid  }
0x8b: {  	s0 =	sand.u32 $0x1, s1  }
0x8c: {  	s17 =	sshll.u32 s0, $0xA;
	s2 =	sadd.s32 s3, s2  }
0x8d: {  	s2 =	sadd.s32 s2, s17  }
0x8e: {  	[smem:$0x3FC6] =	sst s2  }
0x8f: {  	_ = 	snop  }
0x90: {  	s2 =	sld [smem:$0x3FC8]  }
0x91: {  	s18 =	sld [smem:$0x3FD0];
	(tm) =	ssettm $0x1  }
0x92: {  	s4 =	sld [smem:$0x3FFB];
	_ =	sdelay $0x3  }
0x93: {  	_ =	strace s4  }
0x94: {  	s4 =	sld [smem:$0x3FFC];
	_ =	sdelay $0x3  }
0x95: {  	_ =	strace s4  }
0x96: {  	s4 =	sld [smem:$0x3FFD];
	_ =	sdelay $0x3  }
0x97: {  	_ =	strace s4  }
0x98: {  	_ =	strace $0x8FFFFFFF  }
0x99: {  	s19 =	sld [smem:$0x3FDB];
	_ =	sdelay $0x1  }
0x9a: {  	s5 =	simm.s32 $_scs_section_size  }
0x9b: {  	s6 =	simm.s32 $_size__tile_overlayer_lowered;
	s7 =	simm.s32 $_tile_overlayer_lowered  }
0x9c: {  	s22 =	simm.s32 $0x1BFF;
	s21 =	sshll.u32 s7, $0x1;
	s4 =	sadd.s32 s5, s19  }
0x9d: {  	s8 =	simm.s32 $0x0;
	s20 =	sshll.u32 s6, $0x1;
	s6 =	sadd.s32 s21, s4  }
0x9e: {  	[timem:s8], [sflag:s22] =	dma.local [hbm:s6], s20  }
0x9f: {  	_ =	swait.ge [sflag:s22], s20  }
0xa0: {  	s5 =	ssub.s32 $0x0, s20;
	[sflag:s22] =	ssyncset.done $0x0  }
0xa1: {  	[sflag:s22] =	ssyncadd.s32 s5;
	_ =	sdelay $0x1  }
0xa2: {  	s23 =	simm.s32 $0x1B8B  }
0xa3: {  	_ =	swait.ge [sflag:s23], $0x1  }
0xa4: {  	[sflag:s23] =	ssyncset.done $0x0  }
0xa5: {  	s25 =	simm.s32 $0x1B8E;
	s24 =	sld [smem:$0x3FFE];
	[sflag:s23] =	ssyncadd.s32 $0xFFFFFFFF  }
0xa6: {  	s26 =	simm.s32 $execute0_lowered;
	[smem:$0x3FD2] =	sst s25  }
0xa7: {  	s6 =	sshll.u32 s26, $0x1;
	_ =	strace $0x80000046;
	[dreg:$0x1] =	wrdreg $0xFFFFFFFF  }
0xa8: {  	s28 =	simm.s32 $_size_execute0_lowered;
	s4 =	sadd.s32 s4, s6;
	[dreg:$0x0] =	wrdreg $0x0  }
0xa9: {  	s6 =	sshll.u32 s28, $0x1;
	[dreg:$0x2] =	wrdreg s4  }
0xaa: {  	[dreg:$0x3] =	wrdreg s6  }
0xab: {  	[dreg:$0x4] =	wrdreg $0xC0  }
0xac: {  	_ =	task [dreg:s8], $0x5FFFF  }
0xad: {  	[dreg:$0x1] =	wrdreg $0xFFFFFFFF  }
0xae: {  	[dreg:$0x0] =	wrdreg $0x60  }
0xaf: {  	[dreg:$0x2] =	wrdreg s24  }
0xb0: {  	[dreg:$0x3] =	wrdreg s2  }
0xb1: {  	[dreg:$0x4] =	wrdreg s18  }
0xb2: {  	[dreg:$0x5] =	wrdreg $0x9  }
0xb3: {  	_ =	task.clear_ibuf [dreg:s8], $0x6FFFF;
	_ =	strace $0x90000046  }
0xb4: {  	s29 =	simm.s32 $0x9;
	_ =	strace $0x80000048  }
0xb5: {  	_ =	swait.ge [sflag:s29], $0x1  }
0xb6: {  	[sflag:s29] =	ssyncadd.s32 $0xFFFFFFFF  }
0xb7: {  	_ =	strace $0x90000048  }
0xb8: {  	_ =	sfence  }
0xb9: {  	s30 =	sld [smem:$0x0];
	_ =	sdelay $0x2  }
0xba: {  	s31 =	sshll.u32 s1, $0xD;
	s1 =	sshrl.u32 s1, $0x2  }
0xbb: {  	s3 =	sand.u32 $0x4000, s31;
	s1 =	sadd.s32 s1, s30  }
0xbc: {  	s0 =	sor.u32 s3, s0;
	s1 =	sshll.u32 s1, $0x11  }
0xbd: {  	s0 =	sor.u32 s1, s0  }
0xbe: {  	s0 =	sadd.s32 $0x8F2B, s0  }
0xbf: {  	[sflag:s0] =	ssyncadd.remote.s32 $0x1  }
0xc0: {  	_ =	sfence.sel $0xFFFF  }
0xc1: {  	[dreg:$0x0] =	wrdreg $0xFFFFFFFF;
	(pc) =	sbr.abs _section_cstart, $3  }
0xc2: {  	[dreg:$0x1] =	wrdreg $0xFFFFFFFF  }
0xc3: {  	_ =	task.clear_ibuf [dreg:s8], $0x2FFFF;
	_ =	strace $0x9FFFFFFF  }
0xc4: {  	(tm) =	ssettm $0x7FFFFFFF  }
0xc5: {  	_ =	shalt  }
tec
execute0_lowered:
.L_overlay_start_1:
0x0: {  	(tag) =	ssettag $0x1  }
0x1: {  	s0 =	rddreg [dreg:$0x0]  }
0x2: {  	s2 =	rddreg [dreg:$0x1];
	s1 =	srdreg.scid  }
0x3: {  	s3 =	stileid.u32;
	s5 =	rddreg [dreg:$0x2];
	s10 =	simm.s32 $0x80  }
0x4: {  	s11 =	simm.s32 $0x1C00;
	s12 =	simm.s32 $0x5C00;
	s14 =	simm.s32 $0x9C00  }
0x5: {  	s16 =	simm.s32 $0xDC00;
	s18 =	simm.s32 $0x11C00;
	s29 =	simm.s32 $0x15C00  }
0x6: {  	s30 =	simm.s32 $0x2;
	s28 =	simm.s32 $0x5;
	s31 =	simm.s32 $0xA  }
0x7: {  	s1 =	sand.u32 $0x1, s1;
	s4 =	sshll.u32 s3, $0x1;
	s3 =	simm.s32 $0x0  }
0x8: {  	s8 =	sadd.s32 $0x2C0000, s5;
	s19 =	sadd.s32 $0x2D0000, s5;
	s9 =	sadd.s32 $0x2E0000, s5  }
0x9: {  	s13 =	sadd.s32 $0x2F0000, s5;
	s15 =	sadd.s32 $0x300000, s5;
	s17 =	sadd.s32 $0x310000, s5  }
0xa: {  	s20 =	sadd.s32 $0x40000, s5;
	s4 =	sor.u32 s1, s4;
	[smem:$0x7FF] =	sst s3  }
0xb: {  	s1 =	ssub.s32 $0x2, s1;
	s6 =	smul.u32 $0x380, s4;
	_ =	strace $0x80000047  }
0xc: {  	s7 =	sshrl.u32 s1, $0x1;
	s4 =	sshll.u32 s4, $0xB;
	[dreg:$0x7] =	wrdreg s20  }
0xd: {  	s20 =	simm.s32 $0xD;
	s1 =	ssub.s32 s1, s7;
	s7 =	sadd.s32 $0x10000, s5  }
0xe: {  	s21 =	sadd.s32 s4, s8;
	s22 =	sadd.s32 s4, s19;
	s23 =	sadd.s32 s4, s9  }
0xf: {  	s24 =	sadd.s32 s4, s13;
	s25 =	sadd.s32 s4, s15;
	[dreg:$0x9] =	wrdreg s21  }
0x10: {  	s26 =	sadd.s32 s4, s17;
	s13 =	simm.s32 $0x8;
	[dreg:$0xa] =	wrdreg s22  }
0x11: {  	s15 =	simm.s32 $0x4;
	s17 =	simm.s32 $0x9;
	[dreg:$0xb] =	wrdreg s23  }
0x12: {  	s19 =	simm.s32 $0xC;
	s0 =	sadd.s32 s6, s0;
	[dreg:$0xc] =	wrdreg s24  }
0x13: {  	s6 =	sadd.s32 s5, s4;
	s1 =	smax.u32 s1, $0x1;
	[dreg:$0xd] =	wrdreg s25  }
0x14: {  	[dreg:$0xe] =	wrdreg s26;
	s26 =	simm.s32 $0x1;
	s5 =	simm.s32 $0x6  }
0x15: {  	s21 =	simm.s32 $0xE;
	s22 =	simm.s32 $0x0;
	[dreg:$0x5] =	wrdreg s6  }
0x16: {  	s0 =	sadd.s32 $0x400, s0;
	[dreg:$0x6] =	wrdreg s1;
	s1 =	simm.s32 $0x19C00  }
0x17: {  	s6 =	simm.s32 $0xB;
	[dreg:$0x4] =	wrdreg s0;
	s0 =	sadd.s32 s4, s7  }
0x18: {  	s7 =	simm.s32 $0x7;
	[dreg:$0x8] =	wrdreg s0;
	s0 =	simm.s32 $0x3  }
.LBB2_1:
0x19: {  	s8 =	rddreg [dreg:$0x4];
	s24 =	simm.s32 $0xF  }
0x1a: {  	[tilespmem:s3], [sflag:$0xF] =	stream.linear.gather [hbm4b:s8+s3], $0x1900, $0x38;
	[tilespmem:$0x1DC00] =	vst v63  }
0x1b: {  	_ =	swait.ge [sflag:s24], $0x1900  }
0x1c: {  	[sflag:s24] =	ssyncset.done $0x0  }
0x1d: {  	[sflag:s24] =	ssyncadd.s32 $0xFFFFE700  }
0x1e: {  	[tilespmem:s11], [sflag:$0x1] =	stream.indirect.gather [hbm4b:s2+s10], $0x80, s3, s10, $0xb8;
	[tilespmem:$0x1DC00] =	vst v63  }
0x1f: {  	_ = 	snop  }
0x20: {  	[tilespmem:s12], [sflag:$0x2] =	stream.indirect.gather [hbm4b:s2+s10], $0x80, s10, s10, $0xb8;
	[tilespmem:$0x1DC00] =	vst v63  }
0x21: {  	s25 =	simm.s32 $0x100  }
0x22: {  	[tilespmem:s14], [sflag:$0x3] =	stream.indirect.gather [hbm4b:s2+s10], $0x80, s25, s10, $0xb8;
	[tilespmem:$0x1DC00] =	vst v63  }
0x23: {  	s9 =	simm.s32 $0x180  }
0x24: {  	[tilespmem:s16], [sflag:$0x4] =	stream.indirect.gather [hbm4b:s2+s10], $0x80, s9, s10, $0xb8;
	[tilespmem:$0x1DC00] =	vst v63  }
0x25: {  	s23 =	simm.s32 $0x200  }
0x26: {  	[tilespmem:s18], [sflag:$0x5] =	stream.indirect.gather [hbm4b:s2+s10], $0x80, s23, s10, $0xb8;
	[tilespmem:$0x1DC00] =	vst v63  }
0x27: {  	_ =	swait.ge [sflag:s26], $0x4000  }
0x28: {  	[sflag:s26] =	ssyncset.done $0x0  }
0x29: {  	s24 =	rddreg [dreg:$0x5];
	[sflag:s26] =	ssyncadd.s32 $0xFFFFC000  }
0x2a: {  	[hbm4b:s24+s3] =	stream.linear.scatter [tilespmem:s11], [sflag:$0x8], $0x4000, $0x38;
	[tilespmem:$0x1DC00] =	vst v63  }
0x2b: {  	s25 =	simm.s32 $0x280  }
0x2c: {  	[tilespmem:s29], [sflag:$0x6] =	stream.indirect.gather [hbm4b:s2+s10], $0x80, s25, s10, $0xb8;
	[tilespmem:$0x1DC00] =	vst v63  }
0x2d: {  	_ =	swait.ge [sflag:s30], $0x4000  }
0x2e: {  	[sflag:s30] =	ssyncset.done $0x0  }
0x2f: {  	s9 =	rddreg [dreg:$0x8];
	[sflag:s30] =	ssyncadd.s32 $0xFFFFC000  }
0x30: {  	[hbm4b:s9+s3] =	stream.linear.scatter [tilespmem:s12], [sflag:$0x9], $0x4000, $0x38;
	[tilespmem:$0x1DC00] =	vst v63  }
0x31: {  	s23 =	simm.s32 $0x300  }
0x32: {  	[tilespmem:s1], [sflag:$0x7] =	stream.indirect.gather [hbm4b:s2+s10], $0x80, s23, s10, $0xb8;
	[tilespmem:$0x1DC00] =	vst v63  }
0x33: {  	_ =	swait.ge [sflag:s0], $0x4000  }
0x34: {  	s8 =	rddreg [dreg:$0x7]  }
0x35: {  	[sflag:s0] =	ssyncset.done $0x0;
	s9 =	sadd.s32 s4, s8  }
0x36: {  	[sflag:s0] =	ssyncadd.s32 $0xFFFFC000;
	s23 =	sadd.s32 $0xFFFE0000, s9  }
0x37: {  	[hbm4b:s23+s3] =	stream.linear.scatter [tilespmem:s14], [sflag:$0xA], $0x4000, $0x38;
	[tilespmem:$0x1DC00] =	vst v63  }
0x38: {  	_ =	swait.ge [sflag:s13], $0x4000  }
0x39: {  	[sflag:s13] =	ssyncset.done $0x0  }
0x3a: {  	s24 =	simm.s32 $0x380;
	[sflag:s13] =	ssyncadd.s32 $0xFFFFC000  }
0x3b: {  	[tilespmem:s11], [sflag:$0x1] =	stream.indirect.gather [hbm4b:s2+s10], $0x80, s24, s10, $0xb8;
	[tilespmem:$0x1DC00] =	vst v63  }
0x3c: {  	_ =	swait.ge [sflag:s15], $0x4000  }
0x3d: {  	[sflag:s15] =	ssyncset.done $0x0  }
0x3e: {  	s25 =	sadd.s32 $0xFFFF0000, s9;
	[sflag:s15] =	ssyncadd.s32 $0xFFFFC000  }
0x3f: {  	[hbm4b:s25+s3] =	stream.linear.scatter [tilespmem:s16], [sflag:$0xB], $0x4000, $0x38;
	[tilespmem:$0x1DC00] =	vst v63  }
0x40: {  	_ =	swait.ge [sflag:s17], $0x4000  }
0x41: {  	[sflag:s17] =	ssyncset.done $0x0  }
0x42: {  	s24 =	simm.s32 $0x400;
	[sflag:s17] =	ssyncadd.s32 $0xFFFFC000  }
0x43: {  	[tilespmem:s12], [sflag:$0x2] =	stream.indirect.gather [hbm4b:s2+s10], $0x80, s24, s10, $0xb8;
	[tilespmem:$0x1DC00] =	vst v63  }
0x44: {  	_ =	swait.ge [sflag:s28], $0x4000  }
0x45: {  	[sflag:s28] =	ssyncset.done $0x0  }
0x46: {  	[sflag:s28] =	ssyncadd.s32 $0xFFFFC000  }
0x47: {  	[hbm4b:s9+s3] =	stream.linear.scatter [tilespmem:s18], [sflag:$0xC], $0x4000, $0x38;
	[tilespmem:$0x1DC00] =	vst v63  }
0x48: {  	_ =	swait.ge [sflag:s31], $0x4000  }
0x49: {  	[sflag:s31] =	ssyncset.done $0x0  }
0x4a: {  	s25 =	simm.s32 $0x480;
	[sflag:s31] =	ssyncadd.s32 $0xFFFFC000  }
0x4b: {  	[tilespmem:s14], [sflag:$0x3] =	stream.indirect.gather [hbm4b:s2+s10], $0x80, s25, s10, $0xb8;
	[tilespmem:$0x1DC00] =	vst v63  }
0x4c: {  	_ =	swait.ge [sflag:s5], $0x4000  }
0x4d: {  	[sflag:s5] =	ssyncset.done $0x0  }
0x4e: {  	s24 =	sadd.s32 $0x10000, s9;
	[sflag:s5] =	ssyncadd.s32 $0xFFFFC000  }
0x4f: {  	[hbm4b:s24+s3] =	stream.linear.scatter [tilespmem:s29], [sflag:$0xD], $0x4000, $0x38;
	[tilespmem:$0x1DC00] =	vst v63  }
0x50: {  	_ =	swait.ge [sflag:s6], $0x4000  }
0x51: {  	[sflag:s6] =	ssyncset.done $0x0  }
0x52: {  	s25 =	simm.s32 $0x500;
	[sflag:s6] =	ssyncadd.s32 $0xFFFFC000  }
0x53: {  	[tilespmem:s16], [sflag:$0x4] =	stream.indirect.gather [hbm4b:s2+s10], $0x80, s25, s10, $0xb8;
	[tilespmem:$0x1DC00] =	vst v63  }
0x54: {  	_ =	swait.ge [sflag:s7], $0x4000  }
0x55: {  	[sflag:s7] =	ssyncset.done $0x0  }
0x56: {  	s24 =	sadd.s32 $0x20000, s9;
	[sflag:s7] =	ssyncadd.s32 $0xFFFFC000  }
0x57: {  	[hbm4b:s24+s3] =	stream.linear.scatter [tilespmem:s1], [sflag:$0xE], $0x4000, $0x38;
	[tilespmem:$0x1DC00] =	vst v63  }
0x58: {  	_ =	swait.ge [sflag:s19], $0x4000  }
0x59: {  	[sflag:s19] =	ssyncset.done $0x0  }
0x5a: {  	s25 =	simm.s32 $0x580;
	[sflag:s19] =	ssyncadd.s32 $0xFFFFC000  }
0x5b: {  	[tilespmem:s18], [sflag:$0x5] =	stream.indirect.gather [hbm4b:s2+s10], $0x80, s25, s10, $0xb8;
	[tilespmem:$0x1DC00] =	vst v63  }
0x5c: {  	_ =	swait.ge [sflag:s26], $0x4000  }
0x5d: {  	[sflag:s26] =	ssyncset.done $0x0  }
0x5e: {  	s24 =	sadd.s32 $0x30000, s9;
	[sflag:s26] =	ssyncadd.s32 $0xFFFFC000  }
0x5f: {  	[hbm4b:s24+s3] =	stream.linear.scatter [tilespmem:s11], [sflag:$0x8], $0x4000, $0x38;
	[tilespmem:$0x1DC00] =	vst v63  }
0x60: {  	_ =	swait.ge [sflag:s20], $0x4000  }
0x61: {  	[sflag:s20] =	ssyncset.done $0x0  }
0x62: {  	s25 =	simm.s32 $0x600;
	[sflag:s20] =	ssyncadd.s32 $0xFFFFC000  }
0x63: {  	[tilespmem:s29], [sflag:$0x6] =	stream.indirect.gather [hbm4b:s2+s10], $0x80, s25, s10, $0xb8;
	[tilespmem:$0x1DC00] =	vst v63  }
0x64: {  	_ =	swait.ge [sflag:s30], $0x4000  }
0x65: {  	[sflag:s30] =	ssyncset.done $0x0  }
0x66: {  	s9 =	sadd.s32 $0x40000, s9;
	[sflag:s30] =	ssyncadd.s32 $0xFFFFC000  }
0x67: {  	[hbm4b:s9+s3] =	stream.linear.scatter [tilespmem:s12], [sflag:$0x9], $0x4000, $0x38;
	[tilespmem:$0x1DC00] =	vst v63  }
0x68: {  	_ =	swait.ge [sflag:s21], $0x4000  }
0x69: {  	s23 =	simm.s32 $0xE00;
	[sflag:s21] =	ssyncset.done $0x0  }
0x6a: {  	s24 =	sadd.s32 $0x70000, s8;
	s9 =	simm.s32 $0x680;
	[sflag:s21] =	ssyncadd.s32 $0xFFFFC000  }
.LBB2_2:
0x6b: {  	[tilespmem:s1], [sflag:$0x7] =	stream.indirect.gather [hbm4b:s2+s10], $0x80, s9, s10, $0xb8;
	[tilespmem:$0x1DC00] =	vst v63  }
0x6c: {  	s9 =	smov.u32 s23  }
0x6d: {  	p0 =	sne.s32 s23, $0x4600;
	s23 =	sadd.s32 $0xE00, s23;
	_ =	swait.ge [sflag:s0], $0x4000  }
0x6e: {  	s25 =	sadd.s32 s4, s24;
	[sflag:s0] =	ssyncset.done $0x0  }
0x6f: {  	s8 =	sadd.s32 $0xFFFE0000, s25;
	[sflag:s0] =	ssyncadd.s32 $0xFFFFC000  }
0x70: {  	[hbm4b:s8+s3] =	stream.linear.scatter [tilespmem:s14], [sflag:$0xA], $0x4000, $0x38;
	[tilespmem:$0x1DC00] =	vst v63  }
0x71: {  	_ =	swait.ge [sflag:s13], $0x4000  }
0x72: {  	s9 =	sshra.s32 s9, $0x2;
	[sflag:s13] =	ssyncset.done $0x0  }
0x73: {  	s8 =	sadd.s32 $0x380, s9;
	[sflag:s13] =	ssyncadd.s32 $0xFFFFC000  }
0x74: {  	[tilespmem:s11], [sflag:$0x1] =	stream.indirect.gather [hbm4b:s2+s10], $0x80, s8, s10, $0xb8;
	[tilespmem:$0x1DC00] =	vst v63  }
0x75: {  	_ =	swait.ge [sflag:s15], $0x4000  }
0x76: {  	[sflag:s15] =	ssyncset.done $0x0  }
0x77: {  	s8 =	sadd.s32 $0xFFFF0000, s25;
	[sflag:s15] =	ssyncadd.s32 $0xFFFFC000  }
0x78: {  	[hbm4b:s8+s3] =	stream.linear.scatter [tilespmem:s16], [sflag:$0xB], $0x4000, $0x38;
	[tilespmem:$0x1DC00] =	vst v63  }
0x79: {  	_ =	swait.ge [sflag:s17], $0x4000  }
0x7a: {  	[sflag:s17] =	ssyncset.done $0x0  }
0x7b: {  	s8 =	sadd.s32 $0x400, s9;
	[sflag:s17] =	ssyncadd.s32 $0xFFFFC000  }
0x7c: {  	[tilespmem:s12], [sflag:$0x2] =	stream.indirect.gather [hbm4b:s2+s10], $0x80, s8, s10, $0xb8;
	[tilespmem:$0x1DC00] =	vst v63  }
0x7d: {  	_ =	swait.ge [sflag:s28], $0x4000  }
0x7e: {  	[sflag:s28] =	ssyncset.done $0x0  }
0x7f: {  	[sflag:s28] =	ssyncadd.s32 $0xFFFFC000  }
0x80: {  	[hbm4b:s25+s3] =	stream.linear.scatter [tilespmem:s18], [sflag:$0xC], $0x4000, $0x38;
	[tilespmem:$0x1DC00] =	vst v63  }
0x81: {  	_ =	swait.ge [sflag:s31], $0x4000  }
0x82: {  	[sflag:s31] =	ssyncset.done $0x0  }
0x83: {  	s8 =	sadd.s32 $0x480, s9;
	[sflag:s31] =	ssyncadd.s32 $0xFFFFC000  }
0x84: {  	[tilespmem:s14], [sflag:$0x3] =	stream.indirect.gather [hbm4b:s2+s10], $0x80, s8, s10, $0xb8;
	[tilespmem:$0x1DC00] =	vst v63  }
0x85: {  	_ =	swait.ge [sflag:s5], $0x4000  }
0x86: {  	[sflag:s5] =	ssyncset.done $0x0  }
0x87: {  	s8 =	sadd.s32 $0x10000, s25;
	[sflag:s5] =	ssyncadd.s32 $0xFFFFC000  }
0x88: {  	[hbm4b:s8+s3] =	stream.linear.scatter [tilespmem:s29], [sflag:$0xD], $0x4000, $0x38;
	[tilespmem:$0x1DC00] =	vst v63  }
0x89: {  	_ =	swait.ge [sflag:s6], $0x4000  }
0x8a: {  	[sflag:s6] =	ssyncset.done $0x0  }
0x8b: {  	s8 =	sadd.s32 $0x500, s9;
	[sflag:s6] =	ssyncadd.s32 $0xFFFFC000  }
0x8c: {  	[tilespmem:s16], [sflag:$0x4] =	stream.indirect.gather [hbm4b:s2+s10], $0x80, s8, s10, $0xb8;
	[tilespmem:$0x1DC00] =	vst v63  }
0x8d: {  	_ =	swait.ge [sflag:s7], $0x4000  }
0x8e: {  	[sflag:s7] =	ssyncset.done $0x0  }
0x8f: {  	s8 =	sadd.s32 $0x20000, s25;
	[sflag:s7] =	ssyncadd.s32 $0xFFFFC000  }
0x90: {  	[hbm4b:s8+s3] =	stream.linear.scatter [tilespmem:s1], [sflag:$0xE], $0x4000, $0x38;
	[tilespmem:$0x1DC00] =	vst v63  }
0x91: {  	_ =	swait.ge [sflag:s19], $0x4000  }
0x92: {  	[sflag:s19] =	ssyncset.done $0x0  }
0x93: {  	s8 =	sadd.s32 $0x580, s9;
	[sflag:s19] =	ssyncadd.s32 $0xFFFFC000  }
0x94: {  	[tilespmem:s18], [sflag:$0x5] =	stream.indirect.gather [hbm4b:s2+s10], $0x80, s8, s10, $0xb8;
	[tilespmem:$0x1DC00] =	vst v63  }
0x95: {  	_ =	swait.ge [sflag:s26], $0x4000  }
0x96: {  	[sflag:s26] =	ssyncset.done $0x0  }
0x97: {  	s8 =	sadd.s32 $0x30000, s25;
	[sflag:s26] =	ssyncadd.s32 $0xFFFFC000  }
0x98: {  	[hbm4b:s8+s3] =	stream.linear.scatter [tilespmem:s11], [sflag:$0x8], $0x4000, $0x38;
	[tilespmem:$0x1DC00] =	vst v63  }
0x99: {  	_ =	swait.ge [sflag:s20], $0x4000  }
0x9a: {  	[sflag:s20] =	ssyncset.done $0x0  }
0x9b: {  	s8 =	sadd.s32 $0x600, s9;
	[sflag:s20] =	ssyncadd.s32 $0xFFFFC000  }
0x9c: {  	[tilespmem:s29], [sflag:$0x6] =	stream.indirect.gather [hbm4b:s2+s10], $0x80, s8, s10, $0xb8;
	[tilespmem:$0x1DC00] =	vst v63  }
0x9d: {  	_ =	swait.ge [sflag:s30], $0x4000  }
0x9e: {  	[sflag:s30] =	ssyncset.done $0x0  }
.Ltmp0:
0x9f: {  	s8 =	sadd.s32 $0x40000, s25;
	[sflag:s30] =	ssyncadd.s32 $0xFFFFC000;
	(pc) =	sbr.rel @p0 .LBB2_2-.Ltmp0, $4  }
0xa0: {  	[hbm4b:s8+s3] =	stream.linear.scatter [tilespmem:s12], [sflag:$0x9], $0x4000, $0x38;
	[tilespmem:$0x1DC00] =	vst v63  }
0xa1: {  	_ =	swait.ge [sflag:s21], $0x4000  }
0xa2: {  	[sflag:s21] =	ssyncset.done $0x0  }
0xa3: {  	s24 =	sadd.s32 $0x70000, s24;
	s9 =	sadd.s32 $0x680, s9;
	[sflag:s21] =	ssyncadd.s32 $0xFFFFC000  }
0xa4: {  	[tilespmem:s1], [sflag:$0x7] =	stream.indirect.gather [hbm4b:s2+s10], $0x80, s9, s10, $0xb8;
	[tilespmem:$0x1DC00] =	vst v63  }
0xa5: {  	_ =	swait.ge [sflag:s0], $0x4000  }
0xa6: {  	[sflag:s0] =	ssyncset.done $0x0  }
0xa7: {  	s8 =	rddreg [dreg:$0x9];
	[sflag:s0] =	ssyncadd.s32 $0xFFFFC000  }
0xa8: {  	[hbm4b:s8+s3] =	stream.linear.scatter [tilespmem:s14], [sflag:$0xA], $0x4000, $0x38;
	[tilespmem:$0x1DC00] =	vst v63  }
0xa9: {  	_ =	swait.ge [sflag:s13], $0x4000  }
0xaa: {  	[sflag:s13] =	ssyncset.done $0x0  }
0xab: {  	s23 =	simm.s32 $0x1880;
	[sflag:s13] =	ssyncadd.s32 $0xFFFFC000  }
0xac: {  	[tilespmem:s11], [sflag:$0x1] =	stream.indirect.gather [hbm4b:s2+s10], $0x80, s23, s10, $0xb8;
	[tilespmem:$0x1DC00] =	vst v63  }
0xad: {  	_ =	swait.ge [sflag:s15], $0x4000  }
0xae: {  	[sflag:s15] =	ssyncset.done $0x0  }
0xaf: {  	s24 =	rddreg [dreg:$0xa];
	[sflag:s15] =	ssyncadd.s32 $0xFFFFC000  }
0xb0: {  	[hbm4b:s24+s3] =	stream.linear.scatter [tilespmem:s16], [sflag:$0xB], $0x4000, $0x38;
	[tilespmem:$0x1DC00] =	vst v63  }
0xb1: {  	_ =	swait.ge [sflag:s17], $0x4000  }
0xb2: {  	[sflag:s17] =	ssyncset.done $0x0  }
0xb3: {  	[sflag:s17] =	ssyncadd.s32 $0xFFFFC000  }
0xb4: {  	_ =	swait.ge [sflag:s28], $0x4000  }
0xb5: {  	[sflag:s28] =	ssyncset.done $0x0  }
0xb6: {  	s25 =	rddreg [dreg:$0xb];
	[sflag:s28] =	ssyncadd.s32 $0xFFFFC000  }
0xb7: {  	[hbm4b:s25+s3] =	stream.linear.scatter [tilespmem:s18], [sflag:$0xC], $0x4000, $0x38;
	[tilespmem:$0x1DC00] =	vst v63  }
0xb8: {  	_ =	swait.ge [sflag:s31], $0x4000  }
0xb9: {  	[sflag:s31] =	ssyncset.done $0x0  }
0xba: {  	[sflag:s31] =	ssyncadd.s32 $0xFFFFC000  }
0xbb: {  	_ =	swait.ge [sflag:s5], $0x4000  }
0xbc: {  	[sflag:s5] =	ssyncset.done $0x0  }
0xbd: {  	s9 =	rddreg [dreg:$0xc];
	[sflag:s5] =	ssyncadd.s32 $0xFFFFC000  }
0xbe: {  	[hbm4b:s9+s3] =	stream.linear.scatter [tilespmem:s29], [sflag:$0xD], $0x4000, $0x38;
	[tilespmem:$0x1DC00] =	vst v63  }
0xbf: {  	_ =	swait.ge [sflag:s6], $0x4000  }
0xc0: {  	[sflag:s6] =	ssyncset.done $0x0  }
0xc1: {  	[sflag:s6] =	ssyncadd.s32 $0xFFFFC000  }
0xc2: {  	_ =	swait.ge [sflag:s7], $0x4000  }
0xc3: {  	[sflag:s7] =	ssyncset.done $0x0  }
0xc4: {  	s23 =	rddreg [dreg:$0xd];
	[sflag:s7] =	ssyncadd.s32 $0xFFFFC000  }
0xc5: {  	[hbm4b:s23+s3] =	stream.linear.scatter [tilespmem:s1], [sflag:$0xE], $0x4000, $0x38;
	[tilespmem:$0x1DC00] =	vst v63  }
0xc6: {  	_ =	swait.ge [sflag:s19], $0x4000  }
0xc7: {  	[sflag:s19] =	ssyncset.done $0x0  }
0xc8: {  	[sflag:s19] =	ssyncadd.s32 $0xFFFFC000  }
0xc9: {  	_ =	swait.ge [sflag:s26], $0x4000  }
0xca: {  	[sflag:s26] =	ssyncset.done $0x0  }
0xcb: {  	s24 =	rddreg [dreg:$0xe];
	[sflag:s26] =	ssyncadd.s32 $0xFFFFC000  }
0xcc: {  	[hbm4b:s24+s3] =	stream.linear.scatter [tilespmem:s11], [sflag:$0x8], $0x4000, $0x38;
	[tilespmem:$0x1DC00] =	vst v63  }
0xcd: {  	_ =	swait.ge [sflag:s20], $0x4000  }
0xce: {  	[sflag:s20] =	ssyncset.done $0x0  }
0xcf: {  	[sflag:s20] =	ssyncadd.s32 $0xFFFFC000  }
0xd0: {  	_ =	swait.ge [sflag:s21], $0x4000  }
0xd1: {  	[sflag:s21] =	ssyncset.done $0x0  }
0xd2: {  	[sflag:s21] =	ssyncadd.s32 $0xFFFFC000  }
0xd3: {  	_ =	swait.ge [sflag:s13], $0x4000  }
0xd4: {  	s22 =	sadd.s32 $0x1, s22;
	s25 =	rddreg [dreg:$0x6]  }
0xd5: {  	p0 =	sne.s32 s22, s25  }
.Ltmp1:
0xd6: {  	_ = 	snop;
	(pc) =	sbr.rel @p0 .LBB2_1-.Ltmp1, $3  }
0xd7: {  	_ =	sdelay $0x1  }
0xd8: {  	[sflag:s13] =	ssyncset.done $0x0  }
0xd9: {  	[sflag:s13] =	ssyncadd.s32 $0xFFFFC000  }
0xda: {  	_ =	sfence.sel $0x180000  }
0xdb: {  	[bflag:$0x0] =	sbarrier.arrive $0xFFFF  }
0xdc: {  	_ =	strace $0x90000047  }
0xdd: {  	s0 =	stileid.u32;
	[bflag:$0x2] =	sbarrier.arrive $0xFFFF  }
0xde: {  	p0 =	sne.s32 s0, $0x0;
	s0 =	rddreg [dreg:$0x3]  }
0xdf: {  	s0 =	sadd.s32 @!p0 $0x100000, s0  }
0xe0: {  	[sflag:s0] =	ssyncadd.tile.s32 @!p0 $0x1;
	_ =	shalt  }
.Lfunc_end2:
_tile_overlayer_lowered:
.L_overlay_start_2:
0xe1: {  	(tag) =	ssettag $0x2  }
0xe2: {  	s0 =	rddreg [dreg:$0x0];
	s2 =	stileid.u32  }
0xe3: {  	s1 =	rddreg [dreg:$0x1];
	p0 =	sne.s32 s2, $0x0  }
0xe4: {  	s3 =	rddreg [dreg:$0x2];
	[bflag:$0x3] =	sbarrier.arrive $0xFFFF;
	s2 =	simm.s32 @!p0 $0x1C0F  }
0xe5: {  	[timem:s3], [sflag:s2] =	dma.local @!p0 [hbm:s0], s1  }
0xe6: {  	s0 =	simm.s32 @!p0 $0xF  }
0xe7: {  	_ =	swait.ge @!p0 [sflag:s0], s1  }
0xe8: {  	s1 =	ssub.s32 @!p0 $0x0, s1;
	[sflag:s0] =	ssyncset.done @!p0 $0x0  }
0xe9: {  	[sflag:s0] =	ssyncadd.s32 @!p0 s1  }
0xea: {  	[bflag:$0x3] =	sbarrier.arrive $0xFFFF  }
0xeb: {  	_ =	shalt  }

</sc_bundles>
